<compile_context>
chip_gen: v7x
topology: tpu7x:2x2x1
jax: 0.10.2.dev20260603
libtpu: 0.0.44.dev20260713+nightly
codegen_flags: <defaults>
</compile_context>

<pallas_src>
import functools

import jax
import jax.numpy as jnp
from jax import lax
from jax.experimental import pallas as pl
from jax.experimental.pallas import tpu as pltpu
from jax.experimental.pallas import tpu_sc as plsc

E = 8
K = 2
D = 1024
F = 2048
T = 512
CAP = 512
TS = 256
TPE = CAP // TS
FC = 512
NF = F // FC
NW = 32


def _router_body(x_ref, wg_ref, pos_ref, p_ref, cnt_ref):
    x = x_ref[...]
    wg = wg_ref[...]
    scores = jnp.dot(x, wg, preferred_element_type=jnp.float32)
    cols = lax.broadcasted_iota(jnp.int32, (T, E), 1)
    m1 = jnp.max(scores, axis=1, keepdims=True)
    e1 = jnp.min(jnp.where(scores == m1, cols, E), axis=1)
    neg = jnp.float32(-jnp.inf)
    sc2 = jnp.where(cols == e1[:, None], neg, scores)
    m2 = jnp.max(sc2, axis=1, keepdims=True)
    e2 = jnp.min(jnp.where(sc2 == m2, cols, E), axis=1)
    z = jnp.exp(m2[:, 0] - m1[:, 0])
    p1 = 1.0 / (1.0 + z)
    p2 = 1.0 - p1
    a = jnp.concatenate([e1, e2])
    p = jnp.concatenate([p1, p2])
    KT = K * T
    ecols = lax.broadcasted_iota(jnp.int32, (KT, E), 1)
    M = (a[:, None] == ecols).astype(jnp.float32)
    ri = lax.broadcasted_iota(jnp.int32, (KT, KT), 0)
    ci = lax.broadcasted_iota(jnp.int32, (KT, KT), 1)
    L = (ri > ci).astype(jnp.float32)
    R = jnp.dot(L, M, preferred_element_type=jnp.float32)
    rank = jnp.sum(M * R, axis=1).astype(jnp.int32)
    pos = a * CAP + rank
    pos_ref[...] = pos.reshape(8, 128)
    p_ref[...] = p.reshape(8, 128)
    cnt_ref[...] = jnp.sum(M, axis=0, keepdims=True).astype(jnp.int32)


def _router(xf, Wg):
    return pl.pallas_call(
        _router_body,
        out_shape=(
            jax.ShapeDtypeStruct((8, 128), jnp.int32),
            jax.ShapeDtypeStruct((8, 128), jnp.float32),
            jax.ShapeDtypeStruct((1, E), jnp.int32),
        ),
    )(xf, Wg)


def _dispatch(xf, pos32):
    mesh = plsc.VectorSubcoreMesh(core_axis_name="c", subcore_axis_name="s")

    @functools.partial(
        pl.kernel,
        out_type=jax.ShapeDtypeStruct((E * CAP, D), jnp.float32),
        mesh=mesh,
        scratch_types=[
            pltpu.VMEM((NW,), jnp.int32),
            pltpu.VMEM((NW, D), jnp.float32),
            pltpu.SemaphoreType.DMA,
        ],
    )
    def k(x_hbm, pos_hbm, xs_hbm, idx_v, rows_v, sem):
        wid = lax.axis_index("s") * 2 + lax.axis_index("c")
        src = (NW * wid) % T
        pltpu.sync_copy(pos_hbm.at[wid], idx_v)
        pltpu.sync_copy(x_hbm.at[pl.ds(src, NW)], rows_v)
        pltpu.async_copy(rows_v, xs_hbm.at[idx_v], sem).wait()

    return k(xf, pos32)


def _ffn_body(cnt_ref, xs_ref, w1_ref, w2_ref, w3_ref, out_ref):
    e = pl.program_id(0)
    t = pl.program_id(1)
    f = pl.program_id(2)
    active = cnt_ref[e] > t * TS

    @pl.when(active)
    def _():
        xt = xs_ref[...]
        w1 = w1_ref[0]
        w2 = w2_ref[0]
        w3 = w3_ref[0]
        g = jnp.dot(xt, w1, preferred_element_type=jnp.float32)
        u = jnp.dot(xt, w2, preferred_element_type=jnp.float32)
        h = (g * (1.0 / (1.0 + jnp.exp(-g)))) * u
        contrib = jnp.dot(h, w3, preferred_element_type=jnp.float32)

        @pl.when(f == 0)
        def _():
            out_ref[...] = contrib

        @pl.when(f != 0)
        def _():
            out_ref[...] += contrib


def _ffn(xs, W1, W2, W3, counts):
    def fw(e, t, f, cnt):
        return jnp.where(cnt[e] > t * TS, f, NF - 1)

    grid_spec = pltpu.PrefetchScalarGridSpec(
        num_scalar_prefetch=1,
        grid=(E, TPE, NF),
        in_specs=[
            pl.BlockSpec((TS, D), lambda e, t, f, cnt: (e * TPE + t, 0)),
            pl.BlockSpec((1, D, FC), lambda e, t, f, cnt: (e, 0, fw(e, t, f, cnt))),
            pl.BlockSpec((1, D, FC), lambda e, t, f, cnt: (e, 0, fw(e, t, f, cnt))),
            pl.BlockSpec((1, FC, D), lambda e, t, f, cnt: (e, fw(e, t, f, cnt), 0)),
        ],
        out_specs=pl.BlockSpec((TS, D), lambda e, t, f, cnt: (e * TPE + t, 0)),
    )
    return pl.pallas_call(
        _ffn_body,
        grid_spec=grid_spec,
        out_shape=jax.ShapeDtypeStruct((E * CAP, D), jnp.float32),
    )(counts, xs, W1, W2, W3)


def _combine(rows, posA, posB, pA, pB):
    mesh = plsc.VectorSubcoreMesh(core_axis_name="c", subcore_axis_name="s")
    TW = T // NW

    @functools.partial(
        pl.kernel,
        out_type=jax.ShapeDtypeStruct((T, D), jnp.float32),
        mesh=mesh,
        scratch_types=[
            pltpu.VMEM((TW,), jnp.int32),
            pltpu.VMEM((TW,), jnp.int32),
            pltpu.VMEM((TW, D), jnp.float32),
            pltpu.VMEM((TW, D), jnp.float32),
            pltpu.VMEM((TW, 16), jnp.float32),
            pltpu.VMEM((TW, 16), jnp.float32),
            pltpu.VMEM((TW, D), jnp.float32),
            pltpu.SemaphoreType.DMA,
            pltpu.SemaphoreType.DMA,
        ],
    )
    def k(rows_hbm, posA_hbm, posB_hbm, pA_hbm, pB_hbm, y_hbm,
          idxA, idxB, rA, rB, pAv, pBv, yv, semA, semB):
        wid = lax.axis_index("s") * 2 + lax.axis_index("c")
        t0 = TW * wid
        pltpu.sync_copy(posA_hbm.at[wid], idxA)
        pltpu.sync_copy(posB_hbm.at[wid], idxB)
        cA = pltpu.async_copy(rows_hbm.at[idxA], rA, semA)
        cB = pltpu.async_copy(rows_hbm.at[idxB], rB, semB)
        pltpu.sync_copy(pA_hbm.at[pl.ds(t0, TW)], pAv)
        pltpu.sync_copy(pB_hbm.at[pl.ds(t0, TW)], pBv)
        cA.wait()
        cB.wait()

        def body_j(j, _):
            a = pAv[j]
            b = pBv[j]
            for c in range(D // 16):
                s = pl.ds(c * 16, 16)
                yv[j, s] = a * rA[j, s] + b * rB[j, s]
            return 0

        lax.fori_loop(0, TW, body_j, 0)
        pltpu.sync_copy(yv, y_hbm.at[pl.ds(t0, TW)])

    return k(rows, posA, posB, pA, pB)


def kernel(x, Wg, W1, W2, W3):
    b, s, d = x.shape
    xf = x.reshape(b * s, d)
    pos8, p8, counts = _router(xf, Wg)
    pos = pos8.reshape(K * T)
    xs = _dispatch(xf, pos.reshape(NW, (K * T) // NW))
    rows = _ffn(xs, W1, W2, W3, counts.reshape(E))
    posA = pos[:T].reshape(NW, T // NW)
    posB = pos[T:].reshape(NW, T // NW)
    p = p8.reshape(K * T)
    pA = jnp.broadcast_to(p[:T, None], (T, 16))
    pB = jnp.broadcast_to(p[T:, None], (T, 16))
    y = _combine(rows, posA, posB, pA, pB)
    return y.reshape(b, s, d)

# --- scband reference (transcript-rebuilt; emitter-appended) ---
"""Pipeline reference for scband-mo-efeed-forward-9792525435357 (READ-ONLY COPY).

The authoritative reference and input builder live on the scoring server;
editing this copy changes nothing except your own understanding.
"""

import jax, jax.numpy as jnp
import numpy as np

E = 8      # num_experts
K = 2      # num_experts_per_tok
D = 1024   # emb_dim
F = 2048   # moe_intermediate_size
B = 64     # batch
S = 8      # seq_len (q_len)


def setup_inputs(seed: int = 0) -> dict:
    key = jax.random.key(seed)
    k1, k2, k3, k4, k5 = jax.random.split(key, 5)
    x = jax.random.normal(k1, (B, S, D), dtype=jnp.float32)
    Wg = jax.random.normal(k2, (D, E), dtype=jnp.float32) * 0.02
    W1 = jax.random.normal(k3, (E, D, F), dtype=jnp.float32) * 0.02
    W2 = jax.random.normal(k4, (E, D, F), dtype=jnp.float32) * 0.02
    W3 = jax.random.normal(k5, (E, F, D), dtype=jnp.float32) * 0.02
    return {"x": x, "Wg": Wg, "W1": W1, "W2": W2, "W3": W3}


def reference(x, Wg, W1, W2, W3):
    b, s, d = x.shape
    # gate: scores over experts
    scores = jnp.einsum('bsd,de->bse', x, Wg)
    topk_scores, topk_idx = jax.lax.top_k(scores, K)
    topk_probs = jax.nn.softmax(topk_scores, axis=-1)
    # dense all-expert SwiGLU FFN (faithful to the torch loop over experts)
    h = jax.nn.silu(jnp.einsum('bsd,edf->bsef', x, W1)) * jnp.einsum('bsd,edf->bsef', x, W2)
    expert_out = jnp.einsum('bsef,efd->bsed', h, W3)  # [b, s, E, d]
    # scatter top-k probs into a dense [b, s, E] gating tensor (overwrite scatter)
    gating = jnp.zeros_like(scores)
    bi = jnp.arange(b)[:, None, None]
    si = jnp.arange(s)[None, :, None]
    gating = gating.at[bi, si, topk_idx].set(topk_probs)
    y = (gating[..., None] * expert_out).sum(axis=-2)
    return y

if __name__ == "__main__":
    import jax
    _d = setup_inputs()
    print(jax.jit(kernel)(*tuple(_d.values())))

</pallas_src>

<mosaic_0001>
#map = affine_map<(d0, d1) -> (0, 0)>
module attributes {stable_mosaic.version = 14 : i64} {
  func.func @k(%arg0: i32, %arg1: i32, %arg2: memref<4096x1024xf32, #tpu.memory_space<hbm>>, %arg3: memref<32x16xi32, #tpu.memory_space<hbm>>, %arg4: memref<32x16xi32, #tpu.memory_space<hbm>>, %arg5: memref<512x16xf32, #tpu.memory_space<hbm>>, %arg6: memref<512x16xf32, #tpu.memory_space<hbm>>, %arg7: memref<512x1024xf32, #tpu.memory_space<hbm>>, %arg8: memref<16xi32, #tpu.memory_space<vmem>>, %arg9: memref<16xi32, #tpu.memory_space<vmem>>, %arg10: memref<16x1024xf32, #tpu.memory_space<vmem>>, %arg11: memref<16x1024xf32, #tpu.memory_space<vmem>>, %arg12: memref<16x16xf32, #tpu.memory_space<vmem>>, %arg13: memref<16x16xf32, #tpu.memory_space<vmem>>, %arg14: memref<16x1024xf32, #tpu.memory_space<vmem>>, %arg15: memref<!tpu.dma_semaphore, #tpu.memory_space<semaphore_mem>>, %arg16: memref<!tpu.dma_semaphore, #tpu.memory_space<semaphore_mem>>) attributes {dimension_semantics = [#tpu.dimension_semantics<core_parallel>, #tpu.dimension_semantics<subcore_parallel>], iteration_bounds = array<i64: 2, 16>, scalar_prefetch = 0 : i64, scratch_operands = 9 : i64, tpu.core_type = #tpu.core_type<sc_vector_subcore>, window_params = [{transform_indices = #map}, {transform_indices = #map}, {transform_indices = #map}, {transform_indices = #map}, {transform_indices = #map}, {transform_indices = #map}]} {
    %mul3A = arith.constant 2 : i32
    %mul3A_0 = arith.muli %arg1, %mul3A : i32
    %add3A = arith.addi %mul3A_0, %arg0 : i32
    %mul3A_1 = arith.constant 16 : i32
    %mul3A_2 = arith.muli %mul3A_1, %add3A : i32
    "tpu.region"() ({
      %run_scoped3A = tpu.sem_alloc : memref<!tpu.dma_semaphore, #tpu.memory_space<semaphore_mem>>
      %dma_start3A_19 = arith.constant 0 : i32
      %dma_start3A_20 = tpu.memref_slice %arg3[%add3A, %dma_start3A_19] : memref<32x16xi32, #tpu.memory_space<hbm>> -> memref<1x16xi32, #tpu.memory_space<hbm>>
      %dma_start3A_21 = tpu.memref_squeeze %dma_start3A_20 : memref<1x16xi32, #tpu.memory_space<hbm>> -> memref<16xi32, #tpu.memory_space<hbm>>
      %dma_start3A_22 = arith.constant 0 : i32
      %dma_start3A_23 = tpu.memref_slice %arg3[%add3A, %dma_start3A_22] : memref<32x16xi32, #tpu.memory_space<hbm>> -> memref<1x16xi32, #tpu.memory_space<hbm>>
      %dma_start3A_24 = tpu.memref_squeeze %dma_start3A_23 : memref<1x16xi32, #tpu.memory_space<hbm>> -> memref<16xi32, #tpu.memory_space<hbm>>
      tpu.enqueue_dma source(%dma_start3A_24 : memref<16xi32, #tpu.memory_space<hbm>>) target(%arg8 : memref<16xi32, #tpu.memory_space<vmem>>) target_semaphore(%run_scoped3A : memref<!tpu.dma_semaphore, #tpu.memory_space<semaphore_mem>>)
      %dma_wait3A_25 = arith.constant 0 : i32
      %dma_wait3A_26 = tpu.memref_slice %arg3[%add3A, %dma_wait3A_25] : memref<32x16xi32, #tpu.memory_space<hbm>> -> memref<1x16xi32, #tpu.memory_space<hbm>>
      %dma_wait3A_27 = tpu.memref_squeeze %dma_wait3A_26 : memref<1x16xi32, #tpu.memory_space<hbm>> -> memref<16xi32, #tpu.memory_space<hbm>>
      %dma_wait3A_28 = arith.constant 0 : i32
      %dma_wait3A_29 = tpu.memref_slice %arg3[%add3A, %dma_wait3A_28] : memref<32x16xi32, #tpu.memory_space<hbm>> -> memref<1x16xi32, #tpu.memory_space<hbm>>
      %dma_wait3A_30 = tpu.memref_squeeze %dma_wait3A_29 : memref<1x16xi32, #tpu.memory_space<hbm>> -> memref<16xi32, #tpu.memory_space<hbm>>
      tpu.wait_dma2 semaphore(%run_scoped3A : memref<!tpu.dma_semaphore, #tpu.memory_space<semaphore_mem>>) src(%dma_wait3A_30 : memref<16xi32, #tpu.memory_space<hbm>>) dst(%arg8 : memref<16xi32, #tpu.memory_space<vmem>>)
      tpu.yield
    }) : () -> ()
    "tpu.region"() ({
      %run_scoped3A = tpu.sem_alloc : memref<!tpu.dma_semaphore, #tpu.memory_space<semaphore_mem>>
      %dma_start3A_19 = arith.constant 0 : i32
      %dma_start3A_20 = tpu.memref_slice %arg4[%add3A, %dma_start3A_19] : memref<32x16xi32, #tpu.memory_space<hbm>> -> memref<1x16xi32, #tpu.memory_space<hbm>>
      %dma_start3A_21 = tpu.memref_squeeze %dma_start3A_20 : memref<1x16xi32, #tpu.memory_space<hbm>> -> memref<16xi32, #tpu.memory_space<hbm>>
      %dma_start3A_22 = arith.constant 0 : i32
      %dma_start3A_23 = tpu.memref_slice %arg4[%add3A, %dma_start3A_22] : memref<32x16xi32, #tpu.memory_space<hbm>> -> memref<1x16xi32, #tpu.memory_space<hbm>>
      %dma_start3A_24 = tpu.memref_squeeze %dma_start3A_23 : memref<1x16xi32, #tpu.memory_space<hbm>> -> memref<16xi32, #tpu.memory_space<hbm>>
      tpu.enqueue_dma source(%dma_start3A_24 : memref<16xi32, #tpu.memory_space<hbm>>) target(%arg9 : memref<16xi32, #tpu.memory_space<vmem>>) target_semaphore(%run_scoped3A : memref<!tpu.dma_semaphore, #tpu.memory_space<semaphore_mem>>)
      %dma_wait3A_25 = arith.constant 0 : i32
      %dma_wait3A_26 = tpu.memref_slice %arg4[%add3A, %dma_wait3A_25] : memref<32x16xi32, #tpu.memory_space<hbm>> -> memref<1x16xi32, #tpu.memory_space<hbm>>
      %dma_wait3A_27 = tpu.memref_squeeze %dma_wait3A_26 : memref<1x16xi32, #tpu.memory_space<hbm>> -> memref<16xi32, #tpu.memory_space<hbm>>
      %dma_wait3A_28 = arith.constant 0 : i32
      %dma_wait3A_29 = tpu.memref_slice %arg4[%add3A, %dma_wait3A_28] : memref<32x16xi32, #tpu.memory_space<hbm>> -> memref<1x16xi32, #tpu.memory_space<hbm>>
      %dma_wait3A_30 = tpu.memref_squeeze %dma_wait3A_29 : memref<1x16xi32, #tpu.memory_space<hbm>> -> memref<16xi32, #tpu.memory_space<hbm>>
      tpu.wait_dma2 semaphore(%run_scoped3A : memref<!tpu.dma_semaphore, #tpu.memory_space<semaphore_mem>>) src(%dma_wait3A_30 : memref<16xi32, #tpu.memory_space<hbm>>) dst(%arg9 : memref<16xi32, #tpu.memory_space<vmem>>)
      tpu.yield
    }) : () -> ()
    %dma_start3A = arith.constant 0 : i32
    %dma_start3A_3 = arith.constant 0 : i32
    %dma_start3A_4 = tpu.memref_slice %arg2[%dma_start3A, %dma_start3A_3] : memref<4096x1024xf32, #tpu.memory_space<hbm>> -> memref<4096x1024xf32, #tpu.memory_space<hbm>>
    tpu.enqueue_indirect_dma source(%dma_start3A_4 : memref<4096x1024xf32, #tpu.memory_space<hbm>>) target(%arg10 : memref<16x1024xf32, #tpu.memory_space<vmem>>) offsets(%arg8 : memref<16xi32, #tpu.memory_space<vmem>>) semaphore(%arg15 : memref<!tpu.dma_semaphore, #tpu.memory_space<semaphore_mem>>)
    %dma_start3A_5 = arith.constant 0 : i32
    %dma_start3A_6 = arith.constant 0 : i32
    %dma_start3A_7 = tpu.memref_slice %arg2[%dma_start3A_5, %dma_start3A_6] : memref<4096x1024xf32, #tpu.memory_space<hbm>> -> memref<4096x1024xf32, #tpu.memory_space<hbm>>
    tpu.enqueue_indirect_dma source(%dma_start3A_7 : memref<4096x1024xf32, #tpu.memory_space<hbm>>) target(%arg11 : memref<16x1024xf32, #tpu.memory_space<vmem>>) offsets(%arg9 : memref<16xi32, #tpu.memory_space<vmem>>) semaphore(%arg16 : memref<!tpu.dma_semaphore, #tpu.memory_space<semaphore_mem>>)
    "tpu.region"() ({
      %run_scoped3A = tpu.sem_alloc : memref<!tpu.dma_semaphore, #tpu.memory_space<semaphore_mem>>
      %dma_start3A_19 = arith.constant 0 : i32
      %dma_start3A_20 = tpu.memref_slice %arg5[%mul3A_2, %dma_start3A_19] : memref<512x16xf32, #tpu.memory_space<hbm>> -> memref<16x16xf32, #tpu.memory_space<hbm>>
      %dma_start3A_21 = arith.constant 0 : i32
      %dma_start3A_22 = tpu.memref_slice %arg5[%mul3A_2, %dma_start3A_21] : memref<512x16xf32, #tpu.memory_space<hbm>> -> memref<16x16xf32, #tpu.memory_space<hbm>>
      tpu.enqueue_dma source(%dma_start3A_22 : memref<16x16xf32, #tpu.memory_space<hbm>>) target(%arg12 : memref<16x16xf32, #tpu.memory_space<vmem>>) target_semaphore(%run_scoped3A : memref<!tpu.dma_semaphore, #tpu.memory_space<semaphore_mem>>)
      %dma_wait3A_23 = arith.constant 0 : i32
      %dma_wait3A_24 = tpu.memref_slice %arg5[%mul3A_2, %dma_wait3A_23] : memref<512x16xf32, #tpu.memory_space<hbm>> -> memref<16x16xf32, #tpu.memory_space<hbm>>
      %dma_wait3A_25 = arith.constant 0 : i32
      %dma_wait3A_26 = tpu.memref_slice %arg5[%mul3A_2, %dma_wait3A_25] : memref<512x16xf32, #tpu.memory_space<hbm>> -> memref<16x16xf32, #tpu.memory_space<hbm>>
      tpu.wait_dma2 semaphore(%run_scoped3A : memref<!tpu.dma_semaphore, #tpu.memory_space<semaphore_mem>>) src(%dma_wait3A_26 : memref<16x16xf32, #tpu.memory_space<hbm>>) dst(%arg12 : memref<16x16xf32, #tpu.memory_space<vmem>>)
      tpu.yield
    }) : () -> ()
    "tpu.region"() ({
      %run_scoped3A = tpu.sem_alloc : memref<!tpu.dma_semaphore, #tpu.memory_space<semaphore_mem>>
      %dma_start3A_19 = arith.constant 0 : i32
      %dma_start3A_20 = tpu.memref_slice %arg6[%mul3A_2, %dma_start3A_19] : memref<512x16xf32, #tpu.memory_space<hbm>> -> memref<16x16xf32, #tpu.memory_space<hbm>>
      %dma_start3A_21 = arith.constant 0 : i32
      %dma_start3A_22 = tpu.memref_slice %arg6[%mul3A_2, %dma_start3A_21] : memref<512x16xf32, #tpu.memory_space<hbm>> -> memref<16x16xf32, #tpu.memory_space<hbm>>
      tpu.enqueue_dma source(%dma_start3A_22 : memref<16x16xf32, #tpu.memory_space<hbm>>) target(%arg13 : memref<16x16xf32, #tpu.memory_space<vmem>>) target_semaphore(%run_scoped3A : memref<!tpu.dma_semaphore, #tpu.memory_space<semaphore_mem>>)
      %dma_wait3A_23 = arith.constant 0 : i32
      %dma_wait3A_24 = tpu.memref_slice %arg6[%mul3A_2, %dma_wait3A_23] : memref<512x16xf32, #tpu.memory_space<hbm>> -> memref<16x16xf32, #tpu.memory_space<hbm>>
      %dma_wait3A_25 = arith.constant 0 : i32
      %dma_wait3A_26 = tpu.memref_slice %arg6[%mul3A_2, %dma_wait3A_25] : memref<512x16xf32, #tpu.memory_space<hbm>> -> memref<16x16xf32, #tpu.memory_space<hbm>>
      tpu.wait_dma2 semaphore(%run_scoped3A : memref<!tpu.dma_semaphore, #tpu.memory_space<semaphore_mem>>) src(%dma_wait3A_26 : memref<16x16xf32, #tpu.memory_space<hbm>>) dst(%arg13 : memref<16x16xf32, #tpu.memory_space<vmem>>)
      tpu.yield
    }) : () -> ()
    %dma_wait3A = arith.constant 0 : i32
    %dma_wait3A_8 = arith.constant 0 : i32
    %dma_wait3A_9 = tpu.memref_slice %arg2[%dma_wait3A, %dma_wait3A_8] : memref<4096x1024xf32, #tpu.memory_space<hbm>> -> memref<4096x1024xf32, #tpu.memory_space<hbm>>
    tpu.wait_indirect_dma semaphore(%arg15 : memref<!tpu.dma_semaphore, #tpu.memory_space<semaphore_mem>>) src(%dma_wait3A_9 : memref<4096x1024xf32, #tpu.memory_space<hbm>>) dst(%arg10 : memref<16x1024xf32, #tpu.memory_space<vmem>>)
    %dma_wait3A_10 = arith.constant 0 : i32
    %dma_wait3A_11 = arith.constant 0 : i32
    %dma_wait3A_12 = tpu.memref_slice %arg2[%dma_wait3A_10, %dma_wait3A_11] : memref<4096x1024xf32, #tpu.memory_space<hbm>> -> memref<4096x1024xf32, #tpu.memory_space<hbm>>
    tpu.wait_indirect_dma semaphore(%arg16 : memref<!tpu.dma_semaphore, #tpu.memory_space<semaphore_mem>>) src(%dma_wait3A_12 : memref<4096x1024xf32, #tpu.memory_space<hbm>>) dst(%arg11 : memref<16x1024xf32, #tpu.memory_space<vmem>>)
    %scan3A = arith.constant 0 : i32
    %scan3A_13 = arith.constant 0 : i32
    %scan3A_14 = arith.constant 16 : i32
    %scan3A_15 = arith.addi %scan3A_13, %scan3A_14 : i32
    %scan3A_16 = arith.constant 1 : i32
    %scan3A_17 = scf.for %scan3A_19 = %scan3A_13 to %scan3A_15 step %scan3A_16 iter_args(%scan3A_20 = %scan3A) -> (i32)  : i32 {
      %get3A = arith.index_cast %scan3A_19 : i32 to index
      %get3A_21 = arith.constant 0 : index
      %get3A_22 = tpu.vector_load %arg12[%get3A, %get3A_21] {strides = array<i32>} : memref<16x16xf32, #tpu.memory_space<vmem>>, vector<1x16xf32>,
      %get3A_23 = vector.shape_cast %get3A_22 : vector<1x16xf32> to vector<16xf32>
      %get3A_24 = arith.index_cast %scan3A_19 : i32 to index
      %get3A_25 = arith.constant 0 : index
      %get3A_26 = tpu.vector_load %arg13[%get3A_24, %get3A_25] {strides = array<i32>} : memref<16x16xf32, #tpu.memory_space<vmem>>, vector<1x16xf32>,
      %get3A_27 = vector.shape_cast %get3A_26 : vector<1x16xf32> to vector<16xf32>
      %get3A_28 = arith.index_cast %scan3A_19 : i32 to index
      %get3A_29 = arith.constant 0 : index
      %get3A_30 = tpu.vector_load %arg10[%get3A_28, %get3A_29] {strides = array<i32>} : memref<16x1024xf32, #tpu.memory_space<vmem>>, vector<1x16xf32>,
      %get3A_31 = vector.shape_cast %get3A_30 : vector<1x16xf32> to vector<16xf32>
      %mul3A_32 = arith.mulf %get3A_23, %get3A_31 : vector<16xf32>
      %get3A_33 = arith.index_cast %scan3A_19 : i32 to index
      %get3A_34 = arith.constant 0 : index
      %get3A_35 = tpu.vector_load %arg11[%get3A_33, %get3A_34] {strides = array<i32>} : memref<16x1024xf32, #tpu.memory_space<vmem>>, vector<1x16xf32>,
      %get3A_36 = vector.shape_cast %get3A_35 : vector<1x16xf32> to vector<16xf32>
      %mul3A_37 = arith.mulf %get3A_27, %get3A_36 : vector<16xf32>
      %add3A_38 = arith.addf %mul3A_32, %mul3A_37 : vector<16xf32>
      %swap3A = arith.index_cast %scan3A_19 : i32 to index
      %swap3A_39 = arith.constant 0 : index
      %swap3A_40 = tpu.vector_load %arg14[%swap3A, %swap3A_39] {strides = array<i32>} : memref<16x1024xf32, #tpu.memory_space<vmem>>, vector<1x16xf32>,
      %swap3A_41 = vector.shape_cast %swap3A_40 : vector<1x16xf32> to vector<16xf32>
      %swap3A_42 = vector.shape_cast %add3A_38 : vector<16xf32> to vector<1x16xf32>
      tpu.vector_store %arg14[%swap3A, %swap3A_39], %swap3A_42 {strides = array<i32>} : memref<16x1024xf32, #tpu.memory_space<vmem>>, vector<1x16xf32>,
      %get3A_43 = arith.index_cast %scan3A_19 : i32 to index
      %get3A_44 = arith.constant 16 : index
      %get3A_45 = tpu.vector_load %arg10[%get3A_43, %get3A_44] {strides = array<i32>} : memref<16x1024xf32, #tpu.memory_space<vmem>>, vector<1x16xf32>,
      %get3A_46 = vector.shape_cast %get3A_45 : vector<1x16xf32> to vector<16xf32>
      %mul3A_47 = arith.mulf %get3A_23, %get3A_46 : vector<16xf32>
      %get3A_48 = arith.index_cast %scan3A_19 : i32 to index
      %get3A_49 = arith.constant 16 : index
      %get3A_50 = tpu.vector_load %arg11[%get3A_48, %get3A_49] {strides = array<i32>} : memref<16x1024xf32, #tpu.memory_space<vmem>>, vector<1x16xf32>,
      %get3A_51 = vector.shape_cast %get3A_50 : vector<1x16xf32> to vector<16xf32>
      %mul3A_52 = arith.mulf %get3A_27, %get3A_51 : vector<16xf32>
      %add3A_53 = arith.addf %mul3A_47, %mul3A_52 : vector<16xf32>
      %swap3A_54 = arith.index_cast %scan3A_19 : i32 to index
      %swap3A_55 = arith.constant 16 : index
      %swap3A_56 = tpu.vector_load %arg14[%swap3A_54, %swap3A_55] {strides = array<i32>} : memref<16x1024xf32, #tpu.memory_space<vmem>>, vector<1x16xf32>,
      %swap3A_57 = vector.shape_cast %swap3A_56 : vector<1x16xf32> to vector<16xf32>
      %swap3A_58 = vector.shape_cast %add3A_53 : vector<16xf32> to vector<1x16xf32>
      tpu.vector_store %arg14[%swap3A_54, %swap3A_55], %swap3A_58 {strides = array<i32>} : memref<16x1024xf32, #tpu.memory_space<vmem>>, vector<1x16xf32>,
      %get3A_59 = arith.index_cast %scan3A_19 : i32 to index
      %get3A_60 = arith.constant 32 : index
      %get3A_61 = tpu.vector_load %arg10[%get3A_59, %get3A_60] {strides = array<i32>} : memref<16x1024xf32, #tpu.memory_space<vmem>>, vector<1x16xf32>,
      %get3A_62 = vector.shape_cast %get3A_61 : vector<1x16xf32> to vector<16xf32>
      %mul3A_63 = arith.mulf %get3A_23, %get3A_62 : vector<16xf32>
      %get3A_64 = arith.index_cast %scan3A_19 : i32 to index
      %get3A_65 = arith.constant 32 : index
      %get3A_66 = tpu.vector_load %arg11[%get3A_64, %get3A_65] {strides = array<i32>} : memref<16x1024xf32, #tpu.memory_space<vmem>>, vector<1x16xf32>,
      %get3A_67 = vector.shape_cast %get3A_66 : vector<1x16xf32> to vector<16xf32>
      %mul3A_68 = arith.mulf %get3A_27, %get3A_67 : vector<16xf32>
      %add3A_69 = arith.addf %mul3A_63, %mul3A_68 : vector<16xf32>
      %swap3A_70 = arith.index_cast %scan3A_19 : i32 to index
      %swap3A_71 = arith.constant 32 : index
      %swap3A_72 = tpu.vector_load %arg14[%swap3A_70, %swap3A_71] {strides = array<i32>} : memref<16x1024xf32, #tpu.memory_space<vmem>>, vector<1x16xf32>,
      %swap3A_73 = vector.shape_cast %swap3A_72 : vector<1x16xf32> to vector<16xf32>
      %swap3A_74 = vector.shape_cast %add3A_69 : vector<16xf32> to vector<1x16xf32>
      tpu.vector_store %arg14[%swap3A_70, %swap3A_71], %swap3A_74 {strides = array<i32>} : memref<16x1024xf32, #tpu.memory_space<vmem>>, vector<1x16xf32>,
      %get3A_75 = arith.index_cast %scan3A_19 : i32 to index
      %get3A_76 = arith.constant 48 : index
      %get3A_77 = tpu.vector_load %arg10[%get3A_75, %get3A_76] {strides = array<i32>} : memref<16x1024xf32, #tpu.memory_space<vmem>>, vector<1x16xf32>,
      %get3A_78 = vector.shape_cast %get3A_77 : vector<1x16xf32> to vector<16xf32>
      %mul3A_79 = arith.mulf %get3A_23, %get3A_78 : vector<16xf32>
      %get3A_80 = arith.index_cast %scan3A_19 : i32 to index
      %get3A_81 = arith.constant 48 : index
      %get3A_82 = tpu.vector_load %arg11[%get3A_80, %get3A_81] {strides = array<i32>} : memref<16x1024xf32, #tpu.memory_space<vmem>>, vector<1x16xf32>,
      %get3A_83 = vector.shape_cast %get3A_82 : vector<1x16xf32> to vector<16xf32>
      %mul3A_84 = arith.mulf %get3A_27, %get3A_83 : vector<16xf32>
      %add3A_85 = arith.addf %mul3A_79, %mul3A_84 : vector<16xf32>
      %swap3A_86 = arith.index_cast %scan3A_19 : i32 to index
      %swap3A_87 = arith.constant 48 : index
      %swap3A_88 = tpu.vector_load %arg14[%swap3A_86, %swap3A_87] {strides = array<i32>} : memref<16x1024xf32, #tpu.memory_space<vmem>>, vector<1x16xf32>,
      %swap3A_89 = vector.shape_cast %swap3A_88 : vector<1x16xf32> to vector<16xf32>
      %swap3A_90 = vector.shape_cast %add3A_85 : vector<16xf32> to vector<1x16xf32>
      tpu.vector_store %arg14[%swap3A_86, %swap3A_87], %swap3A_90 {strides = array<i32>} : memref<16x1024xf32, #tpu.memory_space<vmem>>, vector<1x16xf32>,
      %get3A_91 = arith.index_cast %scan3A_19 : i32 to index
      %get3A_92 = arith.constant 64 : index
      %get3A_93 = tpu.vector_load %arg10[%get3A_91, %get3A_92] {strides = array<i32>} : memref<16x1024xf32, #tpu.memory_space<vmem>>, vector<1x16xf32>,
      %get3A_94 = vector.shape_cast %get3A_93 : vector<1x16xf32> to vector<16xf32>
      %mul3A_95 = arith.mulf %get3A_23, %get3A_94 : vector<16xf32>
      %get3A_96 = arith.index_cast %scan3A_19 : i32 to index
      %get3A_97 = arith.constant 64 : index
      %get3A_98 = tpu.vector_load %arg11[%get3A_96, %get3A_97] {strides = array<i32>} : memref<16x1024xf32, #tpu.memory_space<vmem>>, vector<1x16xf32>,
      %get3A_99 = vector.shape_cast %get3A_98 : vector<1x16xf32> to vector<16xf32>
      %mul3A_100 = arith.mulf %get3A_27, %get3A_99 : vector<16xf32>
      %add3A_101 = arith.addf %mul3A_95, %mul3A_100 : vector<16xf32>
      %swap3A_102 = arith.index_cast %scan3A_19 : i32 to index
      %swap3A_103 = arith.constant 64 : index
      %swap3A_104 = tpu.vector_load %arg14[%swap3A_102, %swap3A_103] {strides = array<i32>} : memref<16x1024xf32, #tpu.memory_space<vmem>>, vector<1x16xf32>,
      %swap3A_105 = vector.shape_cast %swap3A_104 : vector<1x16xf32> to vector<16xf32>
      %swap3A_106 = vector.shape_cast %add3A_101 : vector<16xf32> to vector<1x16xf32>
      tpu.vector_store %arg14[%swap3A_102, %swap3A_103], %swap3A_106 {strides = array<i32>} : memref<16x1024xf32, #tpu.memory_space<vmem>>, vector<1x16xf32>,
      %get3A_107 = arith.index_cast %scan3A_19 : i32 to index
      %get3A_108 = arith.constant 80 : index
      %get3A_109 = tpu.vector_load %arg10[%get3A_107, %get3A_108] {strides = array<i32>} : memref<16x1024xf32, #tpu.memory_space<vmem>>, vector<1x16xf32>,
      %get3A_110 = vector.shape_cast %get3A_109 : vector<1x16xf32> to vector<16xf32>
      %mul3A_111 = arith.mulf %get3A_23, %get3A_110 : vector<16xf32>
      %get3A_112 = arith.index_cast %scan3A_19 : i32 to index
      %get3A_113 = arith.constant 80 : index
      %get3A_114 = tpu.vector_load %arg11[%get3A_112, %get3A_113] {strides = array<i32>} : memref<16x1024xf32, #tpu.memory_space<vmem>>, vector<1x16xf32>,
      %get3A_115 = vector.shape_cast %get3A_114 : vector<1x16xf32> to vector<16xf32>
      %mul3A_116 = arith.mulf %get3A_27, %get3A_115 : vector<16xf32>
      %add3A_117 = arith.addf %mul3A_111, %mul3A_116 : vector<16xf32>
      %swap3A_118 = arith.index_cast %scan3A_19 : i32 to index
      %swap3A_119 = arith.constant 80 : index
      %swap3A_120 = tpu.vector_load %arg14[%swap3A_118, %swap3A_119] {strides = array<i32>} : memref<16x1024xf32, #tpu.memory_space<vmem>>, vector<1x16xf32>,
      %swap3A_121 = vector.shape_cast %swap3A_120 : vector<1x16xf32> to vector<16xf32>
      %swap3A_122 = vector.shape_cast %add3A_117 : vector<16xf32> to vector<1x16xf32>
      tpu.vector_store %arg14[%swap3A_118, %swap3A_119], %swap3A_122 {strides = array<i32>} : memref<16x1024xf32, #tpu.memory_space<vmem>>, vector<1x16xf32>,
      %get3A_123 = arith.index_cast %scan3A_19 : i32 to index
      %get3A_124 = arith.constant 96 : index
      %get3A_125 = tpu.vector_load %arg10[%get3A_123, %get3A_124] {strides = array<i32>} : memref<16x1024xf32, #tpu.memory_space<vmem>>, vector<1x16xf32>,
      %get3A_126 = vector.shape_cast %get3A_125 : vector<1x16xf32> to vector<16xf32>
      %mul3A_127 = arith.mulf %get3A_23, %get3A_126 : vector<16xf32>
      %get3A_128 = arith.index_cast %scan3A_19 : i32 to index
      %get3A_129 = arith.constant 96 : index
      %get3A_130 = tpu.vector_load %arg11[%get3A_128, %get3A_129] {strides = array<i32>} : memref<16x1024xf32, #tpu.memory_space<vmem>>, vector<1x16xf32>,
      %get3A_131 = vector.shape_cast %get3A_130 : vector<1x16xf32> to vector<16xf32>
      %mul3A_132 = arith.mulf %get3A_27, %get3A_131 : vector<16xf32>
      %add3A_133 = arith.addf %mul3A_127, %mul3A_132 : vector<16xf32>
      %swap3A_134 = arith.index_cast %scan3A_19 : i32 to index
      %swap3A_135 = arith.constant 96 : index
      %swap3A_136 = tpu.vector_load %arg14[%swap3A_134, %swap3A_135] {strides = array<i32>} : memref<16x1024xf32, #tpu.memory_space<vmem>>, vector<1x16xf32>,
      %swap3A_137 = vector.shape_cast %swap3A_136 : vector<1x16xf32> to vector<16xf32>
      %swap3A_138 = vector.shape_cast %add3A_133 : vector<16xf32> to vector<1x16xf32>
      tpu.vector_store %arg14[%swap3A_134, %swap3A_135], %swap3A_138 {strides = array<i32>} : memref<16x1024xf32, #tpu.memory_space<vmem>>, vector<1x16xf32>,
      %get3A_139 = arith.index_cast %scan3A_19 : i32 to index
      %get3A_140 = arith.constant 112 : index
      %get3A_141 = tpu.vector_load %arg10[%get3A_139, %get3A_140] {strides = array<i32>} : memref<16x1024xf32, #tpu.memory_space<vmem>>, vector<1x16xf32>,
      %get3A_142 = vector.shape_cast %get3A_141 : vector<1x16xf32> to vector<16xf32>
      %mul3A_143 = arith.mulf %get3A_23, %get3A_142 : vector<16xf32>
      %get3A_144 = arith.index_cast %scan3A_19 : i32 to index
      %get3A_145 = arith.constant 112 : index
      %get3A_146 = tpu.vector_load %arg11[%get3A_144, %get3A_145] {strides = array<i32>} : memref<16x1024xf32, #tpu.memory_space<vmem>>, vector<1x16xf32>,
      %get3A_147 = vector.shape_cast %get3A_146 : vector<1x16xf32> to vector<16xf32>
      %mul3A_148 = arith.mulf %get3A_27, %get3A_147 : vector<16xf32>
      %add3A_149 = arith.addf %mul3A_143, %mul3A_148 : vector<16xf32>
      %swap3A_150 = arith.index_cast %scan3A_19 : i32 to index
      %swap3A_151 = arith.constant 112 : index
      %swap3A_152 = tpu.vector_load %arg14[%swap3A_150, %swap3A_151] {strides = array<i32>} : memref<16x1024xf32, #tpu.memory_space<vmem>>, vector<1x16xf32>,
      %swap3A_153 = vector.shape_cast %swap3A_152 : vector<1x16xf32> to vector<16xf32>
      %swap3A_154 = vector.shape_cast %add3A_149 : vector<16xf32> to vector<1x16xf32>
      tpu.vector_store %arg14[%swap3A_150, %swap3A_151], %swap3A_154 {strides = array<i32>} : memref<16x1024xf32, #tpu.memory_space<vmem>>, vector<1x16xf32>,
      %get3A_155 = arith.index_cast %scan3A_19 : i32 to index
      %get3A_156 = arith.constant 128 : index
      %get3A_157 = tpu.vector_load %arg10[%get3A_155, %get3A_156] {strides = array<i32>} : memref<16x1024xf32, #tpu.memory_space<vmem>>, vector<1x16xf32>,
      %get3A_158 = vector.shape_cast %get3A_157 : vector<1x16xf32> to vector<16xf32>
      %mul3A_159 = arith.mulf %get3A_23, %get3A_158 : vector<16xf32>
      %get3A_160 = arith.index_cast %scan3A_19 : i32 to index
      %get3A_161 = arith.constant 128 : index
      %get3A_162 = tpu.vector_load %arg11[%get3A_160, %get3A_161] {strides = array<i32>} : memref<16x1024xf32, #tpu.memory_space<vmem>>, vector<1x16xf32>,
      %get3A_163 = vector.shape_cast %get3A_162 : vector<1x16xf32> to vector<16xf32>
      %mul3A_164 = arith.mulf %get3A_27, %get3A_163 : vector<16xf32>
      %add3A_165 = arith.addf %mul3A_159, %mul3A_164 : vector<16xf32>
      %swap3A_166 = arith.index_cast %scan3A_19 : i32 to index
      %swap3A_167 = arith.constant 128 : index
      %swap3A_168 = tpu.vector_load %arg14[%swap3A_166, %swap3A_167] {strides = array<i32>} : memref<16x1024xf32, #tpu.memory_space<vmem>>, vector<1x16xf32>,
      %swap3A_169 = vector.shape_cast %swap3A_168 : vector<1x16xf32> to vector<16xf32>
      %swap3A_170 = vector.shape_cast %add3A_165 : vector<16xf32> to vector<1x16xf32>
      tpu.vector_store %arg14[%swap3A_166, %swap3A_167], %swap3A_170 {strides = array<i32>} : memref<16x1024xf32, #tpu.memory_space<vmem>>, vector<1x16xf32>,
      %get3A_171 = arith.index_cast %scan3A_19 : i32 to index
      %get3A_172 = arith.constant 144 : index
      %get3A_173 = tpu.vector_load %arg10[%get3A_171, %get3A_172] {strides = array<i32>} : memref<16x1024xf32, #tpu.memory_space<vmem>>, vector<1x16xf32>,
      %get3A_174 = vector.shape_cast %get3A_173 : vector<1x16xf32> to vector<16xf32>
      %mul3A_175 = arith.mulf %get3A_23, %get3A_174 : vector<16xf32>
      %get3A_176 = arith.index_cast %scan3A_19 : i32 to index
      %get3A_177 = arith.constant 144 : index
      %get3A_178 = tpu.vector_load %arg11[%get3A_176, %get3A_177] {strides = array<i32>} : memref<16x1024xf32, #tpu.memory_space<vmem>>, vector<1x16xf32>,
      %get3A_179 = vector.shape_cast %get3A_178 : vector<1x16xf32> to vector<16xf32>
      %mul3A_180 = arith.mulf %get3A_27, %get3A_179 : vector<16xf32>
      %add3A_181 = arith.addf %mul3A_175, %mul3A_180 : vector<16xf32>
      %swap3A_182 = arith.index_cast %scan3A_19 : i32 to index
      %swap3A_183 = arith.constant 144 : index
      %swap3A_184 = tpu.vector_load %arg14[%swap3A_182, %swap3A_183] {strides = array<i32>} : memref<16x1024xf32, #tpu.memory_space<vmem>>, vector<1x16xf32>,
      %swap3A_185 = vector.shape_cast %swap3A_184 : vector<1x16xf32> to vector<16xf32>
      %swap3A_186 = vector.shape_cast %add3A_181 : vector<16xf32> to vector<1x16xf32>
      tpu.vector_store %arg14[%swap3A_182, %swap3A_183], %swap3A_186 {strides = array<i32>} : memref<16x1024xf32, #tpu.memory_space<vmem>>, vector<1x16xf32>,
      %get3A_187 = arith.index_cast %scan3A_19 : i32 to index
      %get3A_188 = arith.constant 160 : index
      %get3A_189 = tpu.vector_load %arg10[%get3A_187, %get3A_188] {strides = array<i32>} : memref<16x1024xf32, #tpu.memory_space<vmem>>, vector<1x16xf32>,
      %get3A_190 = vector.shape_cast %get3A_189 : vector<1x16xf32> to vector<16xf32>
      %mul3A_191 = arith.mulf %get3A_23, %get3A_190 : vector<16xf32>
      %get3A_192 = arith.index_cast %scan3A_19 : i32 to index
      %get3A_193 = arith.constant 160 : index
      %get3A_194 = tpu.vector_load %arg11[%get3A_192, %get3A_193] {strides = array<i32>} : memref<16x1024xf32, #tpu.memory_space<vmem>>, vector<1x16xf32>,
      %get3A_195 = vector.shape_cast %get3A_194 : vector<1x16xf32> to vector<16xf32>
      %mul3A_196 = arith.mulf %get3A_27, %get3A_195 : vector<16xf32>
      %add3A_197 = arith.addf %mul3A_191, %mul3A_196 : vector<16xf32>
      %swap3A_198 = arith.index_cast %scan3A_19 : i32 to index
      %swap3A_199 = arith.constant 160 : index
      %swap3A_200 = tpu.vector_load %arg14[%swap3A_198, %swap3A_199] {strides = array<i32>} : memref<16x1024xf32, #tpu.memory_space<vmem>>, vector<1x16xf32>,
      %swap3A_201 = vector.shape_cast %swap3A_200 : vector<1x16xf32> to vector<16xf32>
      %swap3A_202 = vector.shape_cast %add3A_197 : vector<16xf32> to vector<1x16xf32>
      tpu.vector_store %arg14[%swap3A_198, %swap3A_199], %swap3A_202 {strides = array<i32>} : memref<16x1024xf32, #tpu.memory_space<vmem>>, vector<1x16xf32>,
      %get3A_203 = arith.index_cast %scan3A_19 : i32 to index
      %get3A_204 = arith.constant 176 : index
      %get3A_205 = tpu.vector_load %arg10[%get3A_203, %get3A_204] {strides = array<i32>} : memref<16x1024xf32, #tpu.memory_space<vmem>>, vector<1x16xf32>,
      %get3A_206 = vector.shape_cast %get3A_205 : vector<1x16xf32> to vector<16xf32>
      %mul3A_207 = arith.mulf %get3A_23, %get3A_206 : vector<16xf32>
      %get3A_208 = arith.index_cast %scan3A_19 : i32 to index
      %get3A_209 = arith.constant 176 : index
      %get3A_210 = tpu.vector_load %arg11[%get3A_208, %get3A_209] {strides = array<i32>} : memref<16x1024xf32, #tpu.memory_space<vmem>>, vector<1x16xf32>,
      %get3A_211 = vector.shape_cast %get3A_210 : vector<1x16xf32> to vector<16xf32>
      %mul3A_212 = arith.mulf %get3A_27, %get3A_211 : vector<16xf32>
      %add3A_213 = arith.addf %mul3A_207, %mul3A_212 : vector<16xf32>
      %swap3A_214 = arith.index_cast %scan3A_19 : i32 to index
      %swap3A_215 = arith.constant 176 : index
      %swap3A_216 = tpu.vector_load %arg14[%swap3A_214, %swap3A_215] {strides = array<i32>} : memref<16x1024xf32, #tpu.memory_space<vmem>>, vector<1x16xf32>,
      %swap3A_217 = vector.shape_cast %swap3A_216 : vector<1x16xf32> to vector<16xf32>
      %swap3A_218 = vector.shape_cast %add3A_213 : vector<16xf32> to vector<1x16xf32>
      tpu.vector_store %arg14[%swap3A_214, %swap3A_215], %swap3A_218 {strides = array<i32>} : memref<16x1024xf32, #tpu.memory_space<vmem>>, vector<1x16xf32>,
      %get3A_219 = arith.index_cast %scan3A_19 : i32 to index
      %get3A_220 = arith.constant 192 : index
      %get3A_221 = tpu.vector_load %arg10[%get3A_219, %get3A_220] {strides = array<i32>} : memref<16x1024xf32, #tpu.memory_space<vmem>>, vector<1x16xf32>,
      %get3A_222 = vector.shape_cast %get3A_221 : vector<1x16xf32> to vector<16xf32>
      %mul3A_223 = arith.mulf %get3A_23, %get3A_222 : vector<16xf32>
      %get3A_224 = arith.index_cast %scan3A_19 : i32 to index
      %get3A_225 = arith.constant 192 : index
      %get3A_226 = tpu.vector_load %arg11[%get3A_224, %get3A_225] {strides = array<i32>} : memref<16x1024xf32, #tpu.memory_space<vmem>>, vector<1x16xf32>,
      %get3A_227 = vector.shape_cast %get3A_226 : vector<1x16xf32> to vector<16xf32>
      %mul3A_228 = arith.mulf %get3A_27, %get3A_227 : vector<16xf32>
      %add3A_229 = arith.addf %mul3A_223, %mul3A_228 : vector<16xf32>
      %swap3A_230 = arith.index_cast %scan3A_19 : i32 to index
      %swap3A_231 = arith.constant 192 : index
      %swap3A_232 = tpu.vector_load %arg14[%swap3A_230, %swap3A_231] {strides = array<i32>} : memref<16x1024xf32, #tpu.memory_space<vmem>>, vector<1x16xf32>,
      %swap3A_233 = vector.shape_cast %swap3A_232 : vector<1x16xf32> to vector<16xf32>
      %swap3A_234 = vector.shape_cast %add3A_229 : vector<16xf32> to vector<1x16xf32>
      tpu.vector_store %arg14[%swap3A_230, %swap3A_231], %swap3A_234 {strides = array<i32>} : memref<16x1024xf32, #tpu.memory_space<vmem>>, vector<1x16xf32>,
      %get3A_235 = arith.index_cast %scan3A_19 : i32 to index
      %get3A_236 = arith.constant 208 : index
      %get3A_237 = tpu.vector_load %arg10[%get3A_235, %get3A_236] {strides = array<i32>} : memref<16x1024xf32, #tpu.memory_space<vmem>>, vector<1x16xf32>,
      %get3A_238 = vector.shape_cast %get3A_237 : vector<1x16xf32> to vector<16xf32>
      %mul3A_239 = arith.mulf %get3A_23, %get3A_238 : vector<16xf32>
      %get3A_240 = arith.index_cast %scan3A_19 : i32 to index
      %get3A_241 = arith.constant 208 : index
      %get3A_242 = tpu.vector_load %arg11[%get3A_240, %get3A_241] {strides = array<i32>} : memref<16x1024xf32, #tpu.memory_space<vmem>>, vector<1x16xf32>,
      %get3A_243 = vector.shape_cast %get3A_242 : vector<1x16xf32> to vector<16xf32>
      %mul3A_244 = arith.mulf %get3A_27, %get3A_243 : vector<16xf32>
      %add3A_245 = arith.addf %mul3A_239, %mul3A_244 : vector<16xf32>
      %swap3A_246 = arith.index_cast %scan3A_19 : i32 to index
      %swap3A_247 = arith.constant 208 : index
      %swap3A_248 = tpu.vector_load %arg14[%swap3A_246, %swap3A_247] {strides = array<i32>} : memref<16x1024xf32, #tpu.memory_space<vmem>>, vector<1x16xf32>,
      %swap3A_249 = vector.shape_cast %swap3A_248 : vector<1x16xf32> to vector<16xf32>
      %swap3A_250 = vector.shape_cast %add3A_245 : vector<16xf32> to vector<1x16xf32>
      tpu.vector_store %arg14[%swap3A_246, %swap3A_247], %swap3A_250 {strides = array<i32>} : memref<16x1024xf32, #tpu.memory_space<vmem>>, vector<1x16xf32>,
      %get3A_251 = arith.index_cast %scan3A_19 : i32 to index
      %get3A_252 = arith.constant 224 : index
      %get3A_253 = tpu.vector_load %arg10[%get3A_251, %get3A_252] {strides = array<i32>} : memref<16x1024xf32, #tpu.memory_space<vmem>>, vector<1x16xf32>,
      %get3A_254 = vector.shape_cast %get3A_253 : vector<1x16xf32> to vector<16xf32>
      %mul3A_255 = arith.mulf %get3A_23, %get3A_254 : vector<16xf32>
      %get3A_256 = arith.index_cast %scan3A_19 : i32 to index
      %get3A_257 = arith.constant 224 : index
      %get3A_258 = tpu.vector_load %arg11[%get3A_256, %get3A_257] {strides = array<i32>} : memref<16x1024xf32, #tpu.memory_space<vmem>>, vector<1x16xf32>,
      %get3A_259 = vector.shape_cast %get3A_258 : vector<1x16xf32> to vector<16xf32>
      %mul3A_260 = arith.mulf %get3A_27, %get3A_259 : vector<16xf32>
      %add3A_261 = arith.addf %mul3A_255, %mul3A_260 : vector<16xf32>
      %swap3A_262 = arith.index_cast %scan3A_19 : i32 to index
      %swap3A_263 = arith.constant 224 : index
      %swap3A_264 = tpu.vector_load %arg14[%swap3A_262, %swap3A_263] {strides = array<i32>} : memref<16x1024xf32, #tpu.memory_space<vmem>>, vector<1x16xf32>,
      %swap3A_265 = vector.shape_cast %swap3A_264 : vector<1x16xf32> to vector<16xf32>
      %swap3A_266 = vector.shape_cast %add3A_261 : vector<16xf32> to vector<1x16xf32>
      tpu.vector_store %arg14[%swap3A_262, %swap3A_263], %swap3A_266 {strides = array<i32>} : memref<16x1024xf32, #tpu.memory_space<vmem>>, vector<1x16xf32>,
      %get3A_267 = arith.index_cast %scan3A_19 : i32 to index
      %get3A_268 = arith.constant 240 : index
      %get3A_269 = tpu.vector_load %arg10[%get3A_267, %get3A_268] {strides = array<i32>} : memref<16x1024xf32, #tpu.memory_space<vmem>>, vector<1x16xf32>,
      %get3A_270 = vector.shape_cast %get3A_269 : vector<1x16xf32> to vector<16xf32>
      %mul3A_271 = arith.mulf %get3A_23, %get3A_270 : vector<16xf32>
      %get3A_272 = arith.index_cast %scan3A_19 : i32 to index
      %get3A_273 = arith.constant 240 : index
      %get3A_274 = tpu.vector_load %arg11[%get3A_272, %get3A_273] {strides = array<i32>} : memref<16x1024xf32, #tpu.memory_space<vmem>>, vector<1x16xf32>,
      %get3A_275 = vector.shape_cast %get3A_274 : vector<1x16xf32> to vector<16xf32>
      %mul3A_276 = arith.mulf %get3A_27, %get3A_275 : vector<16xf32>
      %add3A_277 = arith.addf %mul3A_271, %mul3A_276 : vector<16xf32>
      %swap3A_278 = arith.index_cast %scan3A_19 : i32 to index
      %swap3A_279 = arith.constant 240 : index
      %swap3A_280 = tpu.vector_load %arg14[%swap3A_278, %swap3A_279] {strides = array<i32>} : memref<16x1024xf32, #tpu.memory_space<vmem>>, vector<1x16xf32>,
      %swap3A_281 = vector.shape_cast %swap3A_280 : vector<1x16xf32> to vector<16xf32>
      %swap3A_282 = vector.shape_cast %add3A_277 : vector<16xf32> to vector<1x16xf32>
      tpu.vector_store %arg14[%swap3A_278, %swap3A_279], %swap3A_282 {strides = array<i32>} : memref<16x1024xf32, #tpu.memory_space<vmem>>, vector<1x16xf32>,
      %get3A_283 = arith.index_cast %scan3A_19 : i32 to index
      %get3A_284 = arith.constant 256 : index
      %get3A_285 = tpu.vector_load %arg10[%get3A_283, %get3A_284] {strides = array<i32>} : memref<16x1024xf32, #tpu.memory_space<vmem>>, vector<1x16xf32>,
      %get3A_286 = vector.shape_cast %get3A_285 : vector<1x16xf32> to vector<16xf32>
      %mul3A_287 = arith.mulf %get3A_23, %get3A_286 : vector<16xf32>
      %get3A_288 = arith.index_cast %scan3A_19 : i32 to index
      %get3A_289 = arith.constant 256 : index
      %get3A_290 = tpu.vector_load %arg11[%get3A_288, %get3A_289] {strides = array<i32>} : memref<16x1024xf32, #tpu.memory_space<vmem>>, vector<1x16xf32>,
      %get3A_291 = vector.shape_cast %get3A_290 : vector<1x16xf32> to vector<16xf32>
      %mul3A_292 = arith.mulf %get3A_27, %get3A_291 : vector<16xf32>
      %add3A_293 = arith.addf %mul3A_287, %mul3A_292 : vector<16xf32>
      %swap3A_294 = arith.index_cast %scan3A_19 : i32 to index
      %swap3A_295 = arith.constant 256 : index
      %swap3A_296 = tpu.vector_load %arg14[%swap3A_294, %swap3A_295] {strides = array<i32>} : memref<16x1024xf32, #tpu.memory_space<vmem>>, vector<1x16xf32>,
      %swap3A_297 = vector.shape_cast %swap3A_296 : vector<1x16xf32> to vector<16xf32>
      %swap3A_298 = vector.shape_cast %add3A_293 : vector<16xf32> to vector<1x16xf32>
      tpu.vector_store %arg14[%swap3A_294, %swap3A_295], %swap3A_298 {strides = array<i32>} : memref<16x1024xf32, #tpu.memory_space<vmem>>, vector<1x16xf32>,
      %get3A_299 = arith.index_cast %scan3A_19 : i32 to index
      %get3A_300 = arith.constant 272 : index
      %get3A_301 = tpu.vector_load %arg10[%get3A_299, %get3A_300] {strides = array<i32>} : memref<16x1024xf32, #tpu.memory_space<vmem>>, vector<1x16xf32>,
      %get3A_302 = vector.shape_cast %get3A_301 : vector<1x16xf32> to vector<16xf32>
      %mul3A_303 = arith.mulf %get3A_23, %get3A_302 : vector<16xf32>
      %get3A_304 = arith.index_cast %scan3A_19 : i32 to index
      %get3A_305 = arith.constant 272 : index
      %get3A_306 = tpu.vector_load %arg11[%get3A_304, %get3A_305] {strides = array<i32>} : memref<16x1024xf32, #tpu.memory_space<vmem>>, vector<1x16xf32>,
      %get3A_307 = vector.shape_cast %get3A_306 : vector<1x16xf32> to vector<16xf32>
      %mul3A_308 = arith.mulf %get3A_27, %get3A_307 : vector<16xf32>
      %add3A_309 = arith.addf %mul3A_303, %mul3A_308 : vector<16xf32>
      %swap3A_310 = arith.index_cast %scan3A_19 : i32 to index
      %swap3A_311 = arith.constant 272 : index
      %swap3A_312 = tpu.vector_load %arg14[%swap3A_310, %swap3A_311] {strides = array<i32>} : memref<16x1024xf32, #tpu.memory_space<vmem>>, vector<1x16xf32>,
      %swap3A_313 = vector.shape_cast %swap3A_312 : vector<1x16xf32> to vector<16xf32>
      %swap3A_314 = vector.shape_cast %add3A_309 : vector<16xf32> to vector<1x16xf32>
      tpu.vector_store %arg14[%swap3A_310, %swap3A_311], %swap3A_314 {strides = array<i32>} : memref<16x1024xf32, #tpu.memory_space<vmem>>, vector<1x16xf32>,
      %get3A_315 = arith.index_cast %scan3A_19 : i32 to index
      %get3A_316 = arith.constant 288 : index
      %get3A_317 = tpu.vector_load %arg10[%get3A_315, %get3A_316] {strides = array<i32>} : memref<16x1024xf32, #tpu.memory_space<vmem>>, vector<1x16xf32>,
      %get3A_318 = vector.shape_cast %get3A_317 : vector<1x16xf32> to vector<16xf32>
      %mul3A_319 = arith.mulf %get3A_23, %get3A_318 : vector<16xf32>
      %get3A_320 = arith.index_cast %scan3A_19 : i32 to index
      %get3A_321 = arith.constant 288 : index
      %get3A_322 = tpu.vector_load %arg11[%get3A_320, %get3A_321] {strides = array<i32>} : memref<16x1024xf32, #tpu.memory_space<vmem>>, vector<1x16xf32>,
      %get3A_323 = vector.shape_cast %get3A_322 : vector<1x16xf32> to vector<16xf32>
      %mul3A_324 = arith.mulf %get3A_27, %get3A_323 : vector<16xf32>
      %add3A_325 = arith.addf %mul3A_319, %mul3A_324 : vector<16xf32>
      %swap3A_326 = arith.index_cast %scan3A_19 : i32 to index
      %swap3A_327 = arith.constant 288 : index
      %swap3A_328 = tpu.vector_load %arg14[%swap3A_326, %swap3A_327] {strides = array<i32>} : memref<16x1024xf32, #tpu.memory_space<vmem>>, vector<1x16xf32>,
      %swap3A_329 = vector.shape_cast %swap3A_328 : vector<1x16xf32> to vector<16xf32>
      %swap3A_330 = vector.shape_cast %add3A_325 : vector<16xf32> to vector<1x16xf32>
      tpu.vector_store %arg14[%swap3A_326, %swap3A_327], %swap3A_330 {strides = array<i32>} : memref<16x1024xf32, #tpu.memory_space<vmem>>, vector<1x16xf32>,
      %get3A_331 = arith.index_cast %scan3A_19 : i32 to index
      %get3A_332 = arith.constant 304 : index
      %get3A_333 = tpu.vector_load %arg10[%get3A_331, %get3A_332] {strides = array<i32>} : memref<16x1024xf32, #tpu.memory_space<vmem>>, vector<1x16xf32>,
      %get3A_334 = vector.shape_cast %get3A_333 : vector<1x16xf32> to vector<16xf32>
      %mul3A_335 = arith.mulf %get3A_23, %get3A_334 : vector<16xf32>
      %get3A_336 = arith.index_cast %scan3A_19 : i32 to index
      %get3A_337 = arith.constant 304 : index
      %get3A_338 = tpu.vector_load %arg11[%get3A_336, %get3A_337] {strides = array<i32>} : memref<16x1024xf32, #tpu.memory_space<vmem>>, vector<1x16xf32>,
      %get3A_339 = vector.shape_cast %get3A_338 : vector<1x16xf32> to vector<16xf32>
      %mul3A_340 = arith.mulf %get3A_27, %get3A_339 : vector<16xf32>
      %add3A_341 = arith.addf %mul3A_335, %mul3A_340 : vector<16xf32>
      %swap3A_342 = arith.index_cast %scan3A_19 : i32 to index
      %swap3A_343 = arith.constant 304 : index
      %swap3A_344 = tpu.vector_load %arg14[%swap3A_342, %swap3A_343] {strides = array<i32>} : memref<16x1024xf32, #tpu.memory_space<vmem>>, vector<1x16xf32>,
      %swap3A_345 = vector.shape_cast %swap3A_344 : vector<1x16xf32> to vector<16xf32>
      %swap3A_346 = vector.shape_cast %add3A_341 : vector<16xf32> to vector<1x16xf32>
      tpu.vector_store %arg14[%swap3A_342, %swap3A_343], %swap3A_346 {strides = array<i32>} : memref<16x1024xf32, #tpu.memory_space<vmem>>, vector<1x16xf32>,
      %get3A_347 = arith.index_cast %scan3A_19 : i32 to index
      %get3A_348 = arith.constant 320 : index
      %get3A_349 = tpu.vector_load %arg10[%get3A_347, %get3A_348] {strides = array<i32>} : memref<16x1024xf32, #tpu.memory_space<vmem>>, vector<1x16xf32>,
      %get3A_350 = vector.shape_cast %get3A_349 : vector<1x16xf32> to vector<16xf32>
      %mul3A_351 = arith.mulf %get3A_23, %get3A_350 : vector<16xf32>
      %get3A_352 = arith.index_cast %scan3A_19 : i32 to index
      %get3A_353 = arith.constant 320 : index
      %get3A_354 = tpu.vector_load %arg11[%get3A_352, %get3A_353] {strides = array<i32>} : memref<16x1024xf32, #tpu.memory_space<vmem>>, vector<1x16xf32>,
      %get3A_355 = vector.shape_cast %get3A_354 : vector<1x16xf32> to vector<16xf32>
      %mul3A_356 = arith.mulf %get3A_27, %get3A_355 : vector<16xf32>
      %add3A_357 = arith.addf %mul3A_351, %mul3A_356 : vector<16xf32>
      %swap3A_358 = arith.index_cast %scan3A_19 : i32 to index
      %swap3A_359 = arith.constant 320 : index
      %swap3A_360 = tpu.vector_load %arg14[%swap3A_358, %swap3A_359] {strides = array<i32>} : memref<16x1024xf32, #tpu.memory_space<vmem>>, vector<1x16xf32>,
      %swap3A_361 = vector.shape_cast %swap3A_360 : vector<1x16xf32> to vector<16xf32>
      %swap3A_362 = vector.shape_cast %add3A_357 : vector<16xf32> to vector<1x16xf32>
      tpu.vector_store %arg14[%swap3A_358, %swap3A_359], %swap3A_362 {strides = array<i32>} : memref<16x1024xf32, #tpu.memory_space<vmem>>, vector<1x16xf32>,
      %get3A_363 = arith.index_cast %scan3A_19 : i32 to index
      %get3A_364 = arith.constant 336 : index
      %get3A_365 = tpu.vector_load %arg10[%get3A_363, %get3A_364] {strides = array<i32>} : memref<16x1024xf32, #tpu.memory_space<vmem>>, vector<1x16xf32>,
      %get3A_366 = vector.shape_cast %get3A_365 : vector<1x16xf32> to vector<16xf32>
      %mul3A_367 = arith.mulf %get3A_23, %get3A_366 : vector<16xf32>
      %get3A_368 = arith.index_cast %scan3A_19 : i32 to index
      %get3A_369 = arith.constant 336 : index
      %get3A_370 = tpu.vector_load %arg11[%get3A_368, %get3A_369] {strides = array<i32>} : memref<16x1024xf32, #tpu.memory_space<vmem>>, vector<1x16xf32>,
      %get3A_371 = vector.shape_cast %get3A_370 : vector<1x16xf32> to vector<16xf32>
      %mul3A_372 = arith.mulf %get3A_27, %get3A_371 : vector<16xf32>
      %add3A_373 = arith.addf %mul3A_367, %mul3A_372 : vector<16xf32>
      %swap3A_374 = arith.index_cast %scan3A_19 : i32 to index
      %swap3A_375 = arith.constant 336 : index
      %swap3A_376 = tpu.vector_load %arg14[%swap3A_374, %swap3A_375] {strides = array<i32>} : memref<16x1024xf32, #tpu.memory_space<vmem>>, vector<1x16xf32>,
      %swap3A_377 = vector.shape_cast %swap3A_376 : vector<1x16xf32> to vector<16xf32>
      %swap3A_378 = vector.shape_cast %add3A_373 : vector<16xf32> to vector<1x16xf32>
      tpu.vector_store %arg14[%swap3A_374, %swap3A_375], %swap3A_378 {strides = array<i32>} : memref<16x1024xf32, #tpu.memory_space<vmem>>, vector<1x16xf32>,
      %get3A_379 = arith.index_cast %scan3A_19 : i32 to index
      %get3A_380 = arith.constant 352 : index
      %get3A_381 = tpu.vector_load %arg10[%get3A_379, %get3A_380] {strides = array<i32>} : memref<16x1024xf32, #tpu.memory_space<vmem>>, vector<1x16xf32>,
      %get3A_382 = vector.shape_cast %get3A_381 : vector<1x16xf32> to vector<16xf32>
      %mul3A_383 = arith.mulf %get3A_23, %get3A_382 : vector<16xf32>
      %get3A_384 = arith.index_cast %scan3A_19 : i32 to index
      %get3A_385 = arith.constant 352 : index
      %get3A_386 = tpu.vector_load %arg11[%get3A_384, %get3A_385] {strides = array<i32>} : memref<16x1024xf32, #tpu.memory_space<vmem>>, vector<1x16xf32>,
      %get3A_387 = vector.shape_cast %get3A_386 : vector<1x16xf32> to vector<16xf32>
      %mul3A_388 = arith.mulf %get3A_27, %get3A_387 : vector<16xf32>
      %add3A_389 = arith.addf %mul3A_383, %mul3A_388 : vector<16xf32>
      %swap3A_390 = arith.index_cast %scan3A_19 : i32 to index
      %swap3A_391 = arith.constant 352 : index
      %swap3A_392 = tpu.vector_load %arg14[%swap3A_390, %swap3A_391] {strides = array<i32>} : memref<16x1024xf32, #tpu.memory_space<vmem>>, vector<1x16xf32>,
      %swap3A_393 = vector.shape_cast %swap3A_392 : vector<1x16xf32> to vector<16xf32>
      %swap3A_394 = vector.shape_cast %add3A_389 : vector<16xf32> to vector<1x16xf32>
      tpu.vector_store %arg14[%swap3A_390, %swap3A_391], %swap3A_394 {strides = array<i32>} : memref<16x1024xf32, #tpu.memory_space<vmem>>, vector<1x16xf32>,
      %get3A_395 = arith.index_cast %scan3A_19 : i32 to index
      %get3A_396 = arith.constant 368 : index
      %get3A_397 = tpu.vector_load %arg10[%get3A_395, %get3A_396] {strides = array<i32>} : memref<16x1024xf32, #tpu.memory_space<vmem>>, vector<1x16xf32>,
      %get3A_398 = vector.shape_cast %get3A_397 : vector<1x16xf32> to vector<16xf32>
      %mul3A_399 = arith.mulf %get3A_23, %get3A_398 : vector<16xf32>
      %get3A_400 = arith.index_cast %scan3A_19 : i32 to index
      %get3A_401 = arith.constant 368 : index
      %get3A_402 = tpu.vector_load %arg11[%get3A_400, %get3A_401] {strides = array<i32>} : memref<16x1024xf32, #tpu.memory_space<vmem>>, vector<1x16xf32>,
      %get3A_403 = vector.shape_cast %get3A_402 : vector<1x16xf32> to vector<16xf32>
      %mul3A_404 = arith.mulf %get3A_27, %get3A_403 : vector<16xf32>
      %add3A_405 = arith.addf %mul3A_399, %mul3A_404 : vector<16xf32>
      %swap3A_406 = arith.index_cast %scan3A_19 : i32 to index
      %swap3A_407 = arith.constant 368 : index
      %swap3A_408 = tpu.vector_load %arg14[%swap3A_406, %swap3A_407] {strides = array<i32>} : memref<16x1024xf32, #tpu.memory_space<vmem>>, vector<1x16xf32>,
      %swap3A_409 = vector.shape_cast %swap3A_408 : vector<1x16xf32> to vector<16xf32>
      %swap3A_410 = vector.shape_cast %add3A_405 : vector<16xf32> to vector<1x16xf32>
      tpu.vector_store %arg14[%swap3A_406, %swap3A_407], %swap3A_410 {strides = array<i32>} : memref<16x1024xf32, #tpu.memory_space<vmem>>, vector<1x16xf32>,
      %get3A_411 = arith.index_cast %scan3A_19 : i32 to index
      %get3A_412 = arith.constant 384 : index
      %get3A_413 = tpu.vector_load %arg10[%get3A_411, %get3A_412] {strides = array<i32>} : memref<16x1024xf32, #tpu.memory_space<vmem>>, vector<1x16xf32>,
      %get3A_414 = vector.shape_cast %get3A_413 : vector<1x16xf32> to vector<16xf32>
      %mul3A_415 = arith.mulf %get3A_23, %get3A_414 : vector<16xf32>
      %get3A_416 = arith.index_cast %scan3A_19 : i32 to index
      %get3A_417 = arith.constant 384 : index
      %get3A_418 = tpu.vector_load %arg11[%get3A_416, %get3A_417] {strides = array<i32>} : memref<16x1024xf32, #tpu.memory_space<vmem>>, vector<1x16xf32>,
      %get3A_419 = vector.shape_cast %get3A_418 : vector<1x16xf32> to vector<16xf32>
      %mul3A_420 = arith.mulf %get3A_27, %get3A_419 : vector<16xf32>
      %add3A_421 = arith.addf %mul3A_415, %mul3A_420 : vector<16xf32>
      %swap3A_422 = arith.index_cast %scan3A_19 : i32 to index
      %swap3A_423 = arith.constant 384 : index
      %swap3A_424 = tpu.vector_load %arg14[%swap3A_422, %swap3A_423] {strides = array<i32>} : memref<16x1024xf32, #tpu.memory_space<vmem>>, vector<1x16xf32>,
      %swap3A_425 = vector.shape_cast %swap3A_424 : vector<1x16xf32> to vector<16xf32>
      %swap3A_426 = vector.shape_cast %add3A_421 : vector<16xf32> to vector<1x16xf32>
      tpu.vector_store %arg14[%swap3A_422, %swap3A_423], %swap3A_426 {strides = array<i32>} : memref<16x1024xf32, #tpu.memory_space<vmem>>, vector<1x16xf32>,
      %get3A_427 = arith.index_cast %scan3A_19 : i32 to index
      %get3A_428 = arith.constant 400 : index
      %get3A_429 = tpu.vector_load %arg10[%get3A_427, %get3A_428] {strides = array<i32>} : memref<16x1024xf32, #tpu.memory_space<vmem>>, vector<1x16xf32>,
      %get3A_430 = vector.shape_cast %get3A_429 : vector<1x16xf32> to vector<16xf32>
      %mul3A_431 = arith.mulf %get3A_23, %get3A_430 : vector<16xf32>
      %get3A_432 = arith.index_cast %scan3A_19 : i32 to index
      %get3A_433 = arith.constant 400 : index
      %get3A_434 = tpu.vector_load %arg11[%get3A_432, %get3A_433] {strides = array<i32>} : memref<16x1024xf32, #tpu.memory_space<vmem>>, vector<1x16xf32>,
      %get3A_435 = vector.shape_cast %get3A_434 : vector<1x16xf32> to vector<16xf32>
      %mul3A_436 = arith.mulf %get3A_27, %get3A_435 : vector<16xf32>
      %add3A_437 = arith.addf %mul3A_431, %mul3A_436 : vector<16xf32>
      %swap3A_438 = arith.index_cast %scan3A_19 : i32 to index
      %swap3A_439 = arith.constant 400 : index
      %swap3A_440 = tpu.vector_load %arg14[%swap3A_438, %swap3A_439] {strides = array<i32>} : memref<16x1024xf32, #tpu.memory_space<vmem>>, vector<1x16xf32>,
      %swap3A_441 = vector.shape_cast %swap3A_440 : vector<1x16xf32> to vector<16xf32>
      %swap3A_442 = vector.shape_cast %add3A_437 : vector<16xf32> to vector<1x16xf32>
      tpu.vector_store %arg14[%swap3A_438, %swap3A_439], %swap3A_442 {strides = array<i32>} : memref<16x1024xf32, #tpu.memory_space<vmem>>, vector<1x16xf32>,
      %get3A_443 = arith.index_cast %scan3A_19 : i32 to index
      %get3A_444 = arith.constant 416 : index
      %get3A_445 = tpu.vector_load %arg10[%get3A_443, %get3A_444] {strides = array<i32>} : memref<16x1024xf32, #tpu.memory_space<vmem>>, vector<1x16xf32>,
      %get3A_446 = vector.shape_cast %get3A_445 : vector<1x16xf32> to vector<16xf32>
      %mul3A_447 = arith.mulf %get3A_23, %get3A_446 : vector<16xf32>
      %get3A_448 = arith.index_cast %scan3A_19 : i32 to index
      %get3A_449 = arith.constant 416 : index
      %get3A_450 = tpu.vector_load %arg11[%get3A_448, %get3A_449] {strides = array<i32>} : memref<16x1024xf32, #tpu.memory_space<vmem>>, vector<1x16xf32>,
      %get3A_451 = vector.shape_cast %get3A_450 : vector<1x16xf32> to vector<16xf32>
      %mul3A_452 = arith.mulf %get3A_27, %get3A_451 : vector<16xf32>
      %add3A_453 = arith.addf %mul3A_447, %mul3A_452 : vector<16xf32>
      %swap3A_454 = arith.index_cast %scan3A_19 : i32 to index
      %swap3A_455 = arith.constant 416 : index
      %swap3A_456 = tpu.vector_load %arg14[%swap3A_454, %swap3A_455] {strides = array<i32>} : memref<16x1024xf32, #tpu.memory_space<vmem>>, vector<1x16xf32>,
      %swap3A_457 = vector.shape_cast %swap3A_456 : vector<1x16xf32> to vector<16xf32>
      %swap3A_458 = vector.shape_cast %add3A_453 : vector<16xf32> to vector<1x16xf32>
      tpu.vector_store %arg14[%swap3A_454, %swap3A_455], %swap3A_458 {strides = array<i32>} : memref<16x1024xf32, #tpu.memory_space<vmem>>, vector<1x16xf32>,
      %get3A_459 = arith.index_cast %scan3A_19 : i32 to index
      %get3A_460 = arith.constant 432 : index
      %get3A_461 = tpu.vector_load %arg10[%get3A_459, %get3A_460] {strides = array<i32>} : memref<16x1024xf32, #tpu.memory_space<vmem>>, vector<1x16xf32>,
      %get3A_462 = vector.shape_cast %get3A_461 : vector<1x16xf32> to vector<16xf32>
      %mul3A_463 = arith.mulf %get3A_23, %get3A_462 : vector<16xf32>
      %get3A_464 = arith.index_cast %scan3A_19 : i32 to index
      %get3A_465 = arith.constant 432 : index
      %get3A_466 = tpu.vector_load %arg11[%get3A_464, %get3A_465] {strides = array<i32>} : memref<16x1024xf32, #tpu.memory_space<vmem>>, vector<1x16xf32>,
      %get3A_467 = vector.shape_cast %get3A_466 : vector<1x16xf32> to vector<16xf32>
      %mul3A_468 = arith.mulf %get3A_27, %get3A_467 : vector<16xf32>
      %add3A_469 = arith.addf %mul3A_463, %mul3A_468 : vector<16xf32>
      %swap3A_470 = arith.index_cast %scan3A_19 : i32 to index
      %swap3A_471 = arith.constant 432 : index
      %swap3A_472 = tpu.vector_load %arg14[%swap3A_470, %swap3A_471] {strides = array<i32>} : memref<16x1024xf32, #tpu.memory_space<vmem>>, vector<1x16xf32>,
      %swap3A_473 = vector.shape_cast %swap3A_472 : vector<1x16xf32> to vector<16xf32>
      %swap3A_474 = vector.shape_cast %add3A_469 : vector<16xf32> to vector<1x16xf32>
      tpu.vector_store %arg14[%swap3A_470, %swap3A_471], %swap3A_474 {strides = array<i32>} : memref<16x1024xf32, #tpu.memory_space<vmem>>, vector<1x16xf32>,
      %get3A_475 = arith.index_cast %scan3A_19 : i32 to index
      %get3A_476 = arith.constant 448 : index
      %get3A_477 = tpu.vector_load %arg10[%get3A_475, %get3A_476] {strides = array<i32>} : memref<16x1024xf32, #tpu.memory_space<vmem>>, vector<1x16xf32>,
      %get3A_478 = vector.shape_cast %get3A_477 : vector<1x16xf32> to vector<16xf32>
      %mul3A_479 = arith.mulf %get3A_23, %get3A_478 : vector<16xf32>
      %get3A_480 = arith.index_cast %scan3A_19 : i32 to index
      %get3A_481 = arith.constant 448 : index
      %get3A_482 = tpu.vector_load %arg11[%get3A_480, %get3A_481] {strides = array<i32>} : memref<16x1024xf32, #tpu.memory_space<vmem>>, vector<1x16xf32>,
      %get3A_483 = vector.shape_cast %get3A_482 : vector<1x16xf32> to vector<16xf32>
      %mul3A_484 = arith.mulf %get3A_27, %get3A_483 : vector<16xf32>
      %add3A_485 = arith.addf %mul3A_479, %mul3A_484 : vector<16xf32>
      %swap3A_486 = arith.index_cast %scan3A_19 : i32 to index
      %swap3A_487 = arith.constant 448 : index
      %swap3A_488 = tpu.vector_load %arg14[%swap3A_486, %swap3A_487] {strides = array<i32>} : memref<16x1024xf32, #tpu.memory_space<vmem>>, vector<1x16xf32>,
      %swap3A_489 = vector.shape_cast %swap3A_488 : vector<1x16xf32> to vector<16xf32>
      %swap3A_490 = vector.shape_cast %add3A_485 : vector<16xf32> to vector<1x16xf32>
      tpu.vector_store %arg14[%swap3A_486, %swap3A_487], %swap3A_490 {strides = array<i32>} : memref<16x1024xf32, #tpu.memory_space<vmem>>, vector<1x16xf32>,
      %get3A_491 = arith.index_cast %scan3A_19 : i32 to index
      %get3A_492 = arith.constant 464 : index
      %get3A_493 = tpu.vector_load %arg10[%get3A_491, %get3A_492] {strides = array<i32>} : memref<16x1024xf32, #tpu.memory_space<vmem>>, vector<1x16xf32>,
      %get3A_494 = vector.shape_cast %get3A_493 : vector<1x16xf32> to vector<16xf32>
      %mul3A_495 = arith.mulf %get3A_23, %get3A_494 : vector<16xf32>
      %get3A_496 = arith.index_cast %scan3A_19 : i32 to index
      %get3A_497 = arith.constant 464 : index
      %get3A_498 = tpu.vector_load %arg11[%get3A_496, %get3A_497] {strides = array<i32>} : memref<16x1024xf32, #tpu.memory_space<vmem>>, vector<1x16xf32>,
      %get3A_499 = vector.shape_cast %get3A_498 : vector<1x16xf32> to vector<16xf32>
      %mul3A_500 = arith.mulf %get3A_27, %get3A_499 : vector<16xf32>
      %add3A_501 = arith.addf %mul3A_495, %mul3A_500 : vector<16xf32>
      %swap3A_502 = arith.index_cast %scan3A_19 : i32 to index
      %swap3A_503 = arith.constant 464 : index
      %swap3A_504 = tpu.vector_load %arg14[%swap3A_502, %swap3A_503] {strides = array<i32>} : memref<16x1024xf32, #tpu.memory_space<vmem>>, vector<1x16xf32>,
      %swap3A_505 = vector.shape_cast %swap3A_504 : vector<1x16xf32> to vector<16xf32>
      %swap3A_506 = vector.shape_cast %add3A_501 : vector<16xf32> to vector<1x16xf32>
      tpu.vector_store %arg14[%swap3A_502, %swap3A_503], %swap3A_506 {strides = array<i32>} : memref<16x1024xf32, #tpu.memory_space<vmem>>, vector<1x16xf32>,
      %get3A_507 = arith.index_cast %scan3A_19 : i32 to index
      %get3A_508 = arith.constant 480 : index
      %get3A_509 = tpu.vector_load %arg10[%get3A_507, %get3A_508] {strides = array<i32>} : memref<16x1024xf32, #tpu.memory_space<vmem>>, vector<1x16xf32>,
      %get3A_510 = vector.shape_cast %get3A_509 : vector<1x16xf32> to vector<16xf32>
      %mul3A_511 = arith.mulf %get3A_23, %get3A_510 : vector<16xf32>
      %get3A_512 = arith.index_cast %scan3A_19 : i32 to index
      %get3A_513 = arith.constant 480 : index
      %get3A_514 = tpu.vector_load %arg11[%get3A_512, %get3A_513] {strides = array<i32>} : memref<16x1024xf32, #tpu.memory_space<vmem>>, vector<1x16xf32>,
      %get3A_515 = vector.shape_cast %get3A_514 : vector<1x16xf32> to vector<16xf32>
      %mul3A_516 = arith.mulf %get3A_27, %get3A_515 : vector<16xf32>
      %add3A_517 = arith.addf %mul3A_511, %mul3A_516 : vector<16xf32>
      %swap3A_518 = arith.index_cast %scan3A_19 : i32 to index
      %swap3A_519 = arith.constant 480 : index
      %swap3A_520 = tpu.vector_load %arg14[%swap3A_518, %swap3A_519] {strides = array<i32>} : memref<16x1024xf32, #tpu.memory_space<vmem>>, vector<1x16xf32>,
      %swap3A_521 = vector.shape_cast %swap3A_520 : vector<1x16xf32> to vector<16xf32>
      %swap3A_522 = vector.shape_cast %add3A_517 : vector<16xf32> to vector<1x16xf32>
      tpu.vector_store %arg14[%swap3A_518, %swap3A_519], %swap3A_522 {strides = array<i32>} : memref<16x1024xf32, #tpu.memory_space<vmem>>, vector<1x16xf32>,
      %get3A_523 = arith.index_cast %scan3A_19 : i32 to index
      %get3A_524 = arith.constant 496 : index
      %get3A_525 = tpu.vector_load %arg10[%get3A_523, %get3A_524] {strides = array<i32>} : memref<16x1024xf32, #tpu.memory_space<vmem>>, vector<1x16xf32>,
      %get3A_526 = vector.shape_cast %get3A_525 : vector<1x16xf32> to vector<16xf32>
      %mul3A_527 = arith.mulf %get3A_23, %get3A_526 : vector<16xf32>
      %get3A_528 = arith.index_cast %scan3A_19 : i32 to index
      %get3A_529 = arith.constant 496 : index
      %get3A_530 = tpu.vector_load %arg11[%get3A_528, %get3A_529] {strides = array<i32>} : memref<16x1024xf32, #tpu.memory_space<vmem>>, vector<1x16xf32>,
      %get3A_531 = vector.shape_cast %get3A_530 : vector<1x16xf32> to vector<16xf32>
      %mul3A_532 = arith.mulf %get3A_27, %get3A_531 : vector<16xf32>
      %add3A_533 = arith.addf %mul3A_527, %mul3A_532 : vector<16xf32>
      %swap3A_534 = arith.index_cast %scan3A_19 : i32 to index
      %swap3A_535 = arith.constant 496 : index
      %swap3A_536 = tpu.vector_load %arg14[%swap3A_534, %swap3A_535] {strides = array<i32>} : memref<16x1024xf32, #tpu.memory_space<vmem>>, vector<1x16xf32>,
      %swap3A_537 = vector.shape_cast %swap3A_536 : vector<1x16xf32> to vector<16xf32>
      %swap3A_538 = vector.shape_cast %add3A_533 : vector<16xf32> to vector<1x16xf32>
      tpu.vector_store %arg14[%swap3A_534, %swap3A_535], %swap3A_538 {strides = array<i32>} : memref<16x1024xf32, #tpu.memory_space<vmem>>, vector<1x16xf32>,
      %get3A_539 = arith.index_cast %scan3A_19 : i32 to index
      %get3A_540 = arith.constant 512 : index
      %get3A_541 = tpu.vector_load %arg10[%get3A_539, %get3A_540] {strides = array<i32>} : memref<16x1024xf32, #tpu.memory_space<vmem>>, vector<1x16xf32>,
      %get3A_542 = vector.shape_cast %get3A_541 : vector<1x16xf32> to vector<16xf32>
      %mul3A_543 = arith.mulf %get3A_23, %get3A_542 : vector<16xf32>
      %get3A_544 = arith.index_cast %scan3A_19 : i32 to index
      %get3A_545 = arith.constant 512 : index
      %get3A_546 = tpu.vector_load %arg11[%get3A_544, %get3A_545] {strides = array<i32>} : memref<16x1024xf32, #tpu.memory_space<vmem>>, vector<1x16xf32>,
      %get3A_547 = vector.shape_cast %get3A_546 : vector<1x16xf32> to vector<16xf32>
      %mul3A_548 = arith.mulf %get3A_27, %get3A_547 : vector<16xf32>
      %add3A_549 = arith.addf %mul3A_543, %mul3A_548 : vector<16xf32>
      %swap3A_550 = arith.index_cast %scan3A_19 : i32 to index
      %swap3A_551 = arith.constant 512 : index
      %swap3A_552 = tpu.vector_load %arg14[%swap3A_550, %swap3A_551] {strides = array<i32>} : memref<16x1024xf32, #tpu.memory_space<vmem>>, vector<1x16xf32>,
      %swap3A_553 = vector.shape_cast %swap3A_552 : vector<1x16xf32> to vector<16xf32>
      %swap3A_554 = vector.shape_cast %add3A_549 : vector<16xf32> to vector<1x16xf32>
      tpu.vector_store %arg14[%swap3A_550, %swap3A_551], %swap3A_554 {strides = array<i32>} : memref<16x1024xf32, #tpu.memory_space<vmem>>, vector<1x16xf32>,
      %get3A_555 = arith.index_cast %scan3A_19 : i32 to index
      %get3A_556 = arith.constant 528 : index
      %get3A_557 = tpu.vector_load %arg10[%get3A_555, %get3A_556] {strides = array<i32>} : memref<16x1024xf32, #tpu.memory_space<vmem>>, vector<1x16xf32>,
      %get3A_558 = vector.shape_cast %get3A_557 : vector<1x16xf32> to vector<16xf32>
      %mul3A_559 = arith.mulf %get3A_23, %get3A_558 : vector<16xf32>
      %get3A_560 = arith.index_cast %scan3A_19 : i32 to index
      %get3A_561 = arith.constant 528 : index
      %get3A_562 = tpu.vector_load %arg11[%get3A_560, %get3A_561] {strides = array<i32>} : memref<16x1024xf32, #tpu.memory_space<vmem>>, vector<1x16xf32>,
      %get3A_563 = vector.shape_cast %get3A_562 : vector<1x16xf32> to vector<16xf32>
      %mul3A_564 = arith.mulf %get3A_27, %get3A_563 : vector<16xf32>
      %add3A_565 = arith.addf %mul3A_559, %mul3A_564 : vector<16xf32>
      %swap3A_566 = arith.index_cast %scan3A_19 : i32 to index
      %swap3A_567 = arith.constant 528 : index
      %swap3A_568 = tpu.vector_load %arg14[%swap3A_566, %swap3A_567] {strides = array<i32>} : memref<16x1024xf32, #tpu.memory_space<vmem>>, vector<1x16xf32>,
      %swap3A_569 = vector.shape_cast %swap3A_568 : vector<1x16xf32> to vector<16xf32>
      %swap3A_570 = vector.shape_cast %add3A_565 : vector<16xf32> to vector<1x16xf32>
      tpu.vector_store %arg14[%swap3A_566, %swap3A_567], %swap3A_570 {strides = array<i32>} : memref<16x1024xf32, #tpu.memory_space<vmem>>, vector<1x16xf32>,
      %get3A_571 = arith.index_cast %scan3A_19 : i32 to index
      %get3A_572 = arith.constant 544 : index
      %get3A_573 = tpu.vector_load %arg10[%get3A_571, %get3A_572] {strides = array<i32>} : memref<16x1024xf32, #tpu.memory_space<vmem>>, vector<1x16xf32>,
      %get3A_574 = vector.shape_cast %get3A_573 : vector<1x16xf32> to vector<16xf32>
      %mul3A_575 = arith.mulf %get3A_23, %get3A_574 : vector<16xf32>
      %get3A_576 = arith.index_cast %scan3A_19 : i32 to index
      %get3A_577 = arith.constant 544 : index
      %get3A_578 = tpu.vector_load %arg11[%get3A_576, %get3A_577] {strides = array<i32>} : memref<16x1024xf32, #tpu.memory_space<vmem>>, vector<1x16xf32>,
      %get3A_579 = vector.shape_cast %get3A_578 : vector<1x16xf32> to vector<16xf32>
      %mul3A_580 = arith.mulf %get3A_27, %get3A_579 : vector<16xf32>
      %add3A_581 = arith.addf %mul3A_575, %mul3A_580 : vector<16xf32>
      %swap3A_582 = arith.index_cast %scan3A_19 : i32 to index
      %swap3A_583 = arith.constant 544 : index
      %swap3A_584 = tpu.vector_load %arg14[%swap3A_582, %swap3A_583] {strides = array<i32>} : memref<16x1024xf32, #tpu.memory_space<vmem>>, vector<1x16xf32>,
      %swap3A_585 = vector.shape_cast %swap3A_584 : vector<1x16xf32> to vector<16xf32>
      %swap3A_586 = vector.shape_cast %add3A_581 : vector<16xf32> to vector<1x16xf32>
      tpu.vector_store %arg14[%swap3A_582, %swap3A_583], %swap3A_586 {strides = array<i32>} : memref<16x1024xf32, #tpu.memory_space<vmem>>, vector<1x16xf32>,
      %get3A_587 = arith.index_cast %scan3A_19 : i32 to index
      %get3A_588 = arith.constant 560 : index
      %get3A_589 = tpu.vector_load %arg10[%get3A_587, %get3A_588] {strides = array<i32>} : memref<16x1024xf32, #tpu.memory_space<vmem>>, vector<1x16xf32>,
      %get3A_590 = vector.shape_cast %get3A_589 : vector<1x16xf32> to vector<16xf32>
      %mul3A_591 = arith.mulf %get3A_23, %get3A_590 : vector<16xf32>
      %get3A_592 = arith.index_cast %scan3A_19 : i32 to index
      %get3A_593 = arith.constant 560 : index
      %get3A_594 = tpu.vector_load %arg11[%get3A_592, %get3A_593] {strides = array<i32>} : memref<16x1024xf32, #tpu.memory_space<vmem>>, vector<1x16xf32>,
      %get3A_595 = vector.shape_cast %get3A_594 : vector<1x16xf32> to vector<16xf32>
      %mul3A_596 = arith.mulf %get3A_27, %get3A_595 : vector<16xf32>
      %add3A_597 = arith.addf %mul3A_591, %mul3A_596 : vector<16xf32>
      %swap3A_598 = arith.index_cast %scan3A_19 : i32 to index
      %swap3A_599 = arith.constant 560 : index
      %swap3A_600 = tpu.vector_load %arg14[%swap3A_598, %swap3A_599] {strides = array<i32>} : memref<16x1024xf32, #tpu.memory_space<vmem>>, vector<1x16xf32>,
      %swap3A_601 = vector.shape_cast %swap3A_600 : vector<1x16xf32> to vector<16xf32>
      %swap3A_602 = vector.shape_cast %add3A_597 : vector<16xf32> to vector<1x16xf32>
      tpu.vector_store %arg14[%swap3A_598, %swap3A_599], %swap3A_602 {strides = array<i32>} : memref<16x1024xf32, #tpu.memory_space<vmem>>, vector<1x16xf32>,
      %get3A_603 = arith.index_cast %scan3A_19 : i32 to index
      %get3A_604 = arith.constant 576 : index
      %get3A_605 = tpu.vector_load %arg10[%get3A_603, %get3A_604] {strides = array<i32>} : memref<16x1024xf32, #tpu.memory_space<vmem>>, vector<1x16xf32>,
      %get3A_606 = vector.shape_cast %get3A_605 : vector<1x16xf32> to vector<16xf32>
      %mul3A_607 = arith.mulf %get3A_23, %get3A_606 : vector<16xf32>
      %get3A_608 = arith.index_cast %scan3A_19 : i32 to index
      %get3A_609 = arith.constant 576 : index
      %get3A_610 = tpu.vector_load %arg11[%get3A_608, %get3A_609] {strides = array<i32>} : memref<16x1024xf32, #tpu.memory_space<vmem>>, vector<1x16xf32>,
      %get3A_611 = vector.shape_cast %get3A_610 : vector<1x16xf32> to vector<16xf32>
      %mul3A_612 = arith.mulf %get3A_27, %get3A_611 : vector<16xf32>
      %add3A_613 = arith.addf %mul3A_607, %mul3A_612 : vector<16xf32>
      %swap3A_614 = arith.index_cast %scan3A_19 : i32 to index
      %swap3A_615 = arith.constant 576 : index
      %swap3A_616 = tpu.vector_load %arg14[%swap3A_614, %swap3A_615] {strides = array<i32>} : memref<16x1024xf32, #tpu.memory_space<vmem>>, vector<1x16xf32>,
      %swap3A_617 = vector.shape_cast %swap3A_616 : vector<1x16xf32> to vector<16xf32>
      %swap3A_618 = vector.shape_cast %add3A_613 : vector<16xf32> to vector<1x16xf32>
      tpu.vector_store %arg14[%swap3A_614, %swap3A_615], %swap3A_618 {strides = array<i32>} : memref<16x1024xf32, #tpu.memory_space<vmem>>, vector<1x16xf32>,
      %get3A_619 = arith.index_cast %scan3A_19 : i32 to index
      %get3A_620 = arith.constant 592 : index
      %get3A_621 = tpu.vector_load %arg10[%get3A_619, %get3A_620] {strides = array<i32>} : memref<16x1024xf32, #tpu.memory_space<vmem>>, vector<1x16xf32>,
      %get3A_622 = vector.shape_cast %get3A_621 : vector<1x16xf32> to vector<16xf32>
      %mul3A_623 = arith.mulf %get3A_23, %get3A_622 : vector<16xf32>
      %get3A_624 = arith.index_cast %scan3A_19 : i32 to index
      %get3A_625 = arith.constant 592 : index
      %get3A_626 = tpu.vector_load %arg11[%get3A_624, %get3A_625] {strides = array<i32>} : memref<16x1024xf32, #tpu.memory_space<vmem>>, vector<1x16xf32>,
      %get3A_627 = vector.shape_cast %get3A_626 : vector<1x16xf32> to vector<16xf32>
      %mul3A_628 = arith.mulf %get3A_27, %get3A_627 : vector<16xf32>
      %add3A_629 = arith.addf %mul3A_623, %mul3A_628 : vector<16xf32>
      %swap3A_630 = arith.index_cast %scan3A_19 : i32 to index
      %swap3A_631 = arith.constant 592 : index
      %swap3A_632 = tpu.vector_load %arg14[%swap3A_630, %swap3A_631] {strides = array<i32>} : memref<16x1024xf32, #tpu.memory_space<vmem>>, vector<1x16xf32>,
      %swap3A_633 = vector.shape_cast %swap3A_632 : vector<1x16xf32> to vector<16xf32>
      %swap3A_634 = vector.shape_cast %add3A_629 : vector<16xf32> to vector<1x16xf32>
      tpu.vector_store %arg14[%swap3A_630, %swap3A_631], %swap3A_634 {strides = array<i32>} : memref<16x1024xf32, #tpu.memory_space<vmem>>, vector<1x16xf32>,
      %get3A_635 = arith.index_cast %scan3A_19 : i32 to index
      %get3A_636 = arith.constant 608 : index
      %get3A_637 = tpu.vector_load %arg10[%get3A_635, %get3A_636] {strides = array<i32>} : memref<16x1024xf32, #tpu.memory_space<vmem>>, vector<1x16xf32>,
      %get3A_638 = vector.shape_cast %get3A_637 : vector<1x16xf32> to vector<16xf32>
      %mul3A_639 = arith.mulf %get3A_23, %get3A_638 : vector<16xf32>
      %get3A_640 = arith.index_cast %scan3A_19 : i32 to index
      %get3A_641 = arith.constant 608 : index
      %get3A_642 = tpu.vector_load %arg11[%get3A_640, %get3A_641] {strides = array<i32>} : memref<16x1024xf32, #tpu.memory_space<vmem>>, vector<1x16xf32>,
      %get3A_643 = vector.shape_cast %get3A_642 : vector<1x16xf32> to vector<16xf32>
      %mul3A_644 = arith.mulf %get3A_27, %get3A_643 : vector<16xf32>
      %add3A_645 = arith.addf %mul3A_639, %mul3A_644 : vector<16xf32>
      %swap3A_646 = arith.index_cast %scan3A_19 : i32 to index
      %swap3A_647 = arith.constant 608 : index
      %swap3A_648 = tpu.vector_load %arg14[%swap3A_646, %swap3A_647] {strides = array<i32>} : memref<16x1024xf32, #tpu.memory_space<vmem>>, vector<1x16xf32>,
      %swap3A_649 = vector.shape_cast %swap3A_648 : vector<1x16xf32> to vector<16xf32>
      %swap3A_650 = vector.shape_cast %add3A_645 : vector<16xf32> to vector<1x16xf32>
      tpu.vector_store %arg14[%swap3A_646, %swap3A_647], %swap3A_650 {strides = array<i32>} : memref<16x1024xf32, #tpu.memory_space<vmem>>, vector<1x16xf32>,
      %get3A_651 = arith.index_cast %scan3A_19 : i32 to index
      %get3A_652 = arith.constant 624 : index
      %get3A_653 = tpu.vector_load %arg10[%get3A_651, %get3A_652] {strides = array<i32>} : memref<16x1024xf32, #tpu.memory_space<vmem>>, vector<1x16xf32>,
      %get3A_654 = vector.shape_cast %get3A_653 : vector<1x16xf32> to vector<16xf32>
      %mul3A_655 = arith.mulf %get3A_23, %get3A_654 : vector<16xf32>
      %get3A_656 = arith.index_cast %scan3A_19 : i32 to index
      %get3A_657 = arith.constant 624 : index
      %get3A_658 = tpu.vector_load %arg11[%get3A_656, %get3A_657] {strides = array<i32>} : memref<16x1024xf32, #tpu.memory_space<vmem>>, vector<1x16xf32>,
      %get3A_659 = vector.shape_cast %get3A_658 : vector<1x16xf32> to vector<16xf32>
      %mul3A_660 = arith.mulf %get3A_27, %get3A_659 : vector<16xf32>
      %add3A_661 = arith.addf %mul3A_655, %mul3A_660 : vector<16xf32>
      %swap3A_662 = arith.index_cast %scan3A_19 : i32 to index
      %swap3A_663 = arith.constant 624 : index
      %swap3A_664 = tpu.vector_load %arg14[%swap3A_662, %swap3A_663] {strides = array<i32>} : memref<16x1024xf32, #tpu.memory_space<vmem>>, vector<1x16xf32>,
      %swap3A_665 = vector.shape_cast %swap3A_664 : vector<1x16xf32> to vector<16xf32>
      %swap3A_666 = vector.shape_cast %add3A_661 : vector<16xf32> to vector<1x16xf32>
      tpu.vector_store %arg14[%swap3A_662, %swap3A_663], %swap3A_666 {strides = array<i32>} : memref<16x1024xf32, #tpu.memory_space<vmem>>, vector<1x16xf32>,
      %get3A_667 = arith.index_cast %scan3A_19 : i32 to index
      %get3A_668 = arith.constant 640 : index
      %get3A_669 = tpu.vector_load %arg10[%get3A_667, %get3A_668] {strides = array<i32>} : memref<16x1024xf32, #tpu.memory_space<vmem>>, vector<1x16xf32>,
      %get3A_670 = vector.shape_cast %get3A_669 : vector<1x16xf32> to vector<16xf32>
      %mul3A_671 = arith.mulf %get3A_23, %get3A_670 : vector<16xf32>
      %get3A_672 = arith.index_cast %scan3A_19 : i32 to index
      %get3A_673 = arith.constant 640 : index
      %get3A_674 = tpu.vector_load %arg11[%get3A_672, %get3A_673] {strides = array<i32>} : memref<16x1024xf32, #tpu.memory_space<vmem>>, vector<1x16xf32>,
      %get3A_675 = vector.shape_cast %get3A_674 : vector<1x16xf32> to vector<16xf32>
      %mul3A_676 = arith.mulf %get3A_27, %get3A_675 : vector<16xf32>
      %add3A_677 = arith.addf %mul3A_671, %mul3A_676 : vector<16xf32>
      %swap3A_678 = arith.index_cast %scan3A_19 : i32 to index
      %swap3A_679 = arith.constant 640 : index
      %swap3A_680 = tpu.vector_load %arg14[%swap3A_678, %swap3A_679] {strides = array<i32>} : memref<16x1024xf32, #tpu.memory_space<vmem>>, vector<1x16xf32>,
      %swap3A_681 = vector.shape_cast %swap3A_680 : vector<1x16xf32> to vector<16xf32>
      %swap3A_682 = vector.shape_cast %add3A_677 : vector<16xf32> to vector<1x16xf32>
      tpu.vector_store %arg14[%swap3A_678, %swap3A_679], %swap3A_682 {strides = array<i32>} : memref<16x1024xf32, #tpu.memory_space<vmem>>, vector<1x16xf32>,
      %get3A_683 = arith.index_cast %scan3A_19 : i32 to index
      %get3A_684 = arith.constant 656 : index
      %get3A_685 = tpu.vector_load %arg10[%get3A_683, %get3A_684] {strides = array<i32>} : memref<16x1024xf32, #tpu.memory_space<vmem>>, vector<1x16xf32>,
      %get3A_686 = vector.shape_cast %get3A_685 : vector<1x16xf32> to vector<16xf32>
      %mul3A_687 = arith.mulf %get3A_23, %get3A_686 : vector<16xf32>
      %get3A_688 = arith.index_cast %scan3A_19 : i32 to index
      %get3A_689 = arith.constant 656 : index
      %get3A_690 = tpu.vector_load %arg11[%get3A_688, %get3A_689] {strides = array<i32>} : memref<16x1024xf32, #tpu.memory_space<vmem>>, vector<1x16xf32>,
      %get3A_691 = vector.shape_cast %get3A_690 : vector<1x16xf32> to vector<16xf32>
      %mul3A_692 = arith.mulf %get3A_27, %get3A_691 : vector<16xf32>
      %add3A_693 = arith.addf %mul3A_687, %mul3A_692 : vector<16xf32>
      %swap3A_694 = arith.index_cast %scan3A_19 : i32 to index
      %swap3A_695 = arith.constant 656 : index
      %swap3A_696 = tpu.vector_load %arg14[%swap3A_694, %swap3A_695] {strides = array<i32>} : memref<16x1024xf32, #tpu.memory_space<vmem>>, vector<1x16xf32>,
      %swap3A_697 = vector.shape_cast %swap3A_696 : vector<1x16xf32> to vector<16xf32>
      %swap3A_698 = vector.shape_cast %add3A_693 : vector<16xf32> to vector<1x16xf32>
      tpu.vector_store %arg14[%swap3A_694, %swap3A_695], %swap3A_698 {strides = array<i32>} : memref<16x1024xf32, #tpu.memory_space<vmem>>, vector<1x16xf32>,
      %get3A_699 = arith.index_cast %scan3A_19 : i32 to index
      %get3A_700 = arith.constant 672 : index
      %get3A_701 = tpu.vector_load %arg10[%get3A_699, %get3A_700] {strides = array<i32>} : memref<16x1024xf32, #tpu.memory_space<vmem>>, vector<1x16xf32>,
      %get3A_702 = vector.shape_cast %get3A_701 : vector<1x16xf32> to vector<16xf32>
      %mul3A_703 = arith.mulf %get3A_23, %get3A_702 : vector<16xf32>
      %get3A_704 = arith.index_cast %scan3A_19 : i32 to index
      %get3A_705 = arith.constant 672 : index
      %get3A_706 = tpu.vector_load %arg11[%get3A_704, %get3A_705] {strides = array<i32>} : memref<16x1024xf32, #tpu.memory_space<vmem>>, vector<1x16xf32>,
      %get3A_707 = vector.shape_cast %get3A_706 : vector<1x16xf32> to vector<16xf32>
      %mul3A_708 = arith.mulf %get3A_27, %get3A_707 : vector<16xf32>
      %add3A_709 = arith.addf %mul3A_703, %mul3A_708 : vector<16xf32>
      %swap3A_710 = arith.index_cast %scan3A_19 : i32 to index
      %swap3A_711 = arith.constant 672 : index
      %swap3A_712 = tpu.vector_load %arg14[%swap3A_710, %swap3A_711] {strides = array<i32>} : memref<16x1024xf32, #tpu.memory_space<vmem>>, vector<1x16xf32>,
      %swap3A_713 = vector.shape_cast %swap3A_712 : vector<1x16xf32> to vector<16xf32>
      %swap3A_714 = vector.shape_cast %add3A_709 : vector<16xf32> to vector<1x16xf32>
      tpu.vector_store %arg14[%swap3A_710, %swap3A_711], %swap3A_714 {strides = array<i32>} : memref<16x1024xf32, #tpu.memory_space<vmem>>, vector<1x16xf32>,
      %get3A_715 = arith.index_cast %scan3A_19 : i32 to index
      %get3A_716 = arith.constant 688 : index
      %get3A_717 = tpu.vector_load %arg10[%get3A_715, %get3A_716] {strides = array<i32>} : memref<16x1024xf32, #tpu.memory_space<vmem>>, vector<1x16xf32>,
      %get3A_718 = vector.shape_cast %get3A_717 : vector<1x16xf32> to vector<16xf32>
      %mul3A_719 = arith.mulf %get3A_23, %get3A_718 : vector<16xf32>
      %get3A_720 = arith.index_cast %scan3A_19 : i32 to index
      %get3A_721 = arith.constant 688 : index
      %get3A_722 = tpu.vector_load %arg11[%get3A_720, %get3A_721] {strides = array<i32>} : memref<16x1024xf32, #tpu.memory_space<vmem>>, vector<1x16xf32>,
      %get3A_723 = vector.shape_cast %get3A_722 : vector<1x16xf32> to vector<16xf32>
      %mul3A_724 = arith.mulf %get3A_27, %get3A_723 : vector<16xf32>
      %add3A_725 = arith.addf %mul3A_719, %mul3A_724 : vector<16xf32>
      %swap3A_726 = arith.index_cast %scan3A_19 : i32 to index
      %swap3A_727 = arith.constant 688 : index
      %swap3A_728 = tpu.vector_load %arg14[%swap3A_726, %swap3A_727] {strides = array<i32>} : memref<16x1024xf32, #tpu.memory_space<vmem>>, vector<1x16xf32>,
      %swap3A_729 = vector.shape_cast %swap3A_728 : vector<1x16xf32> to vector<16xf32>
      %swap3A_730 = vector.shape_cast %add3A_725 : vector<16xf32> to vector<1x16xf32>
      tpu.vector_store %arg14[%swap3A_726, %swap3A_727], %swap3A_730 {strides = array<i32>} : memref<16x1024xf32, #tpu.memory_space<vmem>>, vector<1x16xf32>,
      %get3A_731 = arith.index_cast %scan3A_19 : i32 to index
      %get3A_732 = arith.constant 704 : index
      %get3A_733 = tpu.vector_load %arg10[%get3A_731, %get3A_732] {strides = array<i32>} : memref<16x1024xf32, #tpu.memory_space<vmem>>, vector<1x16xf32>,
      %get3A_734 = vector.shape_cast %get3A_733 : vector<1x16xf32> to vector<16xf32>
      %mul3A_735 = arith.mulf %get3A_23, %get3A_734 : vector<16xf32>
      %get3A_736 = arith.index_cast %scan3A_19 : i32 to index
      %get3A_737 = arith.constant 704 : index
      %get3A_738 = tpu.vector_load %arg11[%get3A_736, %get3A_737] {strides = array<i32>} : memref<16x1024xf32, #tpu.memory_space<vmem>>, vector<1x16xf32>,
      %get3A_739 = vector.shape_cast %get3A_738 : vector<1x16xf32> to vector<16xf32>
      %mul3A_740 = arith.mulf %get3A_27, %get3A_739 : vector<16xf32>
      %add3A_741 = arith.addf %mul3A_735, %mul3A_740 : vector<16xf32>
      %swap3A_742 = arith.index_cast %scan3A_19 : i32 to index
      %swap3A_743 = arith.constant 704 : index
      %swap3A_744 = tpu.vector_load %arg14[%swap3A_742, %swap3A_743] {strides = array<i32>} : memref<16x1024xf32, #tpu.memory_space<vmem>>, vector<1x16xf32>,
      %swap3A_745 = vector.shape_cast %swap3A_744 : vector<1x16xf32> to vector<16xf32>
      %swap3A_746 = vector.shape_cast %add3A_741 : vector<16xf32> to vector<1x16xf32>
      tpu.vector_store %arg14[%swap3A_742, %swap3A_743], %swap3A_746 {strides = array<i32>} : memref<16x1024xf32, #tpu.memory_space<vmem>>, vector<1x16xf32>,
      %get3A_747 = arith.index_cast %scan3A_19 : i32 to index
      %get3A_748 = arith.constant 720 : index
      %get3A_749 = tpu.vector_load %arg10[%get3A_747, %get3A_748] {strides = array<i32>} : memref<16x1024xf32, #tpu.memory_space<vmem>>, vector<1x16xf32>,
      %get3A_750 = vector.shape_cast %get3A_749 : vector<1x16xf32> to vector<16xf32>
      %mul3A_751 = arith.mulf %get3A_23, %get3A_750 : vector<16xf32>
      %get3A_752 = arith.index_cast %scan3A_19 : i32 to index
      %get3A_753 = arith.constant 720 : index
      %get3A_754 = tpu.vector_load %arg11[%get3A_752, %get3A_753] {strides = array<i32>} : memref<16x1024xf32, #tpu.memory_space<vmem>>, vector<1x16xf32>,
      %get3A_755 = vector.shape_cast %get3A_754 : vector<1x16xf32> to vector<16xf32>
      %mul3A_756 = arith.mulf %get3A_27, %get3A_755 : vector<16xf32>
      %add3A_757 = arith.addf %mul3A_751, %mul3A_756 : vector<16xf32>
      %swap3A_758 = arith.index_cast %scan3A_19 : i32 to index
      %swap3A_759 = arith.constant 720 : index
      %swap3A_760 = tpu.vector_load %arg14[%swap3A_758, %swap3A_759] {strides = array<i32>} : memref<16x1024xf32, #tpu.memory_space<vmem>>, vector<1x16xf32>,
      %swap3A_761 = vector.shape_cast %swap3A_760 : vector<1x16xf32> to vector<16xf32>
      %swap3A_762 = vector.shape_cast %add3A_757 : vector<16xf32> to vector<1x16xf32>
      tpu.vector_store %arg14[%swap3A_758, %swap3A_759], %swap3A_762 {strides = array<i32>} : memref<16x1024xf32, #tpu.memory_space<vmem>>, vector<1x16xf32>,
      %get3A_763 = arith.index_cast %scan3A_19 : i32 to index
      %get3A_764 = arith.constant 736 : index
      %get3A_765 = tpu.vector_load %arg10[%get3A_763, %get3A_764] {strides = array<i32>} : memref<16x1024xf32, #tpu.memory_space<vmem>>, vector<1x16xf32>,
      %get3A_766 = vector.shape_cast %get3A_765 : vector<1x16xf32> to vector<16xf32>
      %mul3A_767 = arith.mulf %get3A_23, %get3A_766 : vector<16xf32>
      %get3A_768 = arith.index_cast %scan3A_19 : i32 to index
      %get3A_769 = arith.constant 736 : index
      %get3A_770 = tpu.vector_load %arg11[%get3A_768, %get3A_769] {strides = array<i32>} : memref<16x1024xf32, #tpu.memory_space<vmem>>, vector<1x16xf32>,
      %get3A_771 = vector.shape_cast %get3A_770 : vector<1x16xf32> to vector<16xf32>
      %mul3A_772 = arith.mulf %get3A_27, %get3A_771 : vector<16xf32>
      %add3A_773 = arith.addf %mul3A_767, %mul3A_772 : vector<16xf32>
      %swap3A_774 = arith.index_cast %scan3A_19 : i32 to index
      %swap3A_775 = arith.constant 736 : index
      %swap3A_776 = tpu.vector_load %arg14[%swap3A_774, %swap3A_775] {strides = array<i32>} : memref<16x1024xf32, #tpu.memory_space<vmem>>, vector<1x16xf32>,
      %swap3A_777 = vector.shape_cast %swap3A_776 : vector<1x16xf32> to vector<16xf32>
      %swap3A_778 = vector.shape_cast %add3A_773 : vector<16xf32> to vector<1x16xf32>
      tpu.vector_store %arg14[%swap3A_774, %swap3A_775], %swap3A_778 {strides = array<i32>} : memref<16x1024xf32, #tpu.memory_space<vmem>>, vector<1x16xf32>,
      %get3A_779 = arith.index_cast %scan3A_19 : i32 to index
      %get3A_780 = arith.constant 752 : index
      %get3A_781 = tpu.vector_load %arg10[%get3A_779, %get3A_780] {strides = array<i32>} : memref<16x1024xf32, #tpu.memory_space<vmem>>, vector<1x16xf32>,
      %get3A_782 = vector.shape_cast %get3A_781 : vector<1x16xf32> to vector<16xf32>
      %mul3A_783 = arith.mulf %get3A_23, %get3A_782 : vector<16xf32>
      %get3A_784 = arith.index_cast %scan3A_19 : i32 to index
      %get3A_785 = arith.constant 752 : index
      %get3A_786 = tpu.vector_load %arg11[%get3A_784, %get3A_785] {strides = array<i32>} : memref<16x1024xf32, #tpu.memory_space<vmem>>, vector<1x16xf32>,
      %get3A_787 = vector.shape_cast %get3A_786 : vector<1x16xf32> to vector<16xf32>
      %mul3A_788 = arith.mulf %get3A_27, %get3A_787 : vector<16xf32>
      %add3A_789 = arith.addf %mul3A_783, %mul3A_788 : vector<16xf32>
      %swap3A_790 = arith.index_cast %scan3A_19 : i32 to index
      %swap3A_791 = arith.constant 752 : index
      %swap3A_792 = tpu.vector_load %arg14[%swap3A_790, %swap3A_791] {strides = array<i32>} : memref<16x1024xf32, #tpu.memory_space<vmem>>, vector<1x16xf32>,
      %swap3A_793 = vector.shape_cast %swap3A_792 : vector<1x16xf32> to vector<16xf32>
      %swap3A_794 = vector.shape_cast %add3A_789 : vector<16xf32> to vector<1x16xf32>
      tpu.vector_store %arg14[%swap3A_790, %swap3A_791], %swap3A_794 {strides = array<i32>} : memref<16x1024xf32, #tpu.memory_space<vmem>>, vector<1x16xf32>,
      %get3A_795 = arith.index_cast %scan3A_19 : i32 to index
      %get3A_796 = arith.constant 768 : index
      %get3A_797 = tpu.vector_load %arg10[%get3A_795, %get3A_796] {strides = array<i32>} : memref<16x1024xf32, #tpu.memory_space<vmem>>, vector<1x16xf32>,
      %get3A_798 = vector.shape_cast %get3A_797 : vector<1x16xf32> to vector<16xf32>
      %mul3A_799 = arith.mulf %get3A_23, %get3A_798 : vector<16xf32>
      %get3A_800 = arith.index_cast %scan3A_19 : i32 to index
      %get3A_801 = arith.constant 768 : index
      %get3A_802 = tpu.vector_load %arg11[%get3A_800, %get3A_801] {strides = array<i32>} : memref<16x1024xf32, #tpu.memory_space<vmem>>, vector<1x16xf32>,
      %get3A_803 = vector.shape_cast %get3A_802 : vector<1x16xf32> to vector<16xf32>
      %mul3A_804 = arith.mulf %get3A_27, %get3A_803 : vector<16xf32>
      %add3A_805 = arith.addf %mul3A_799, %mul3A_804 : vector<16xf32>
      %swap3A_806 = arith.index_cast %scan3A_19 : i32 to index
      %swap3A_807 = arith.constant 768 : index
      %swap3A_808 = tpu.vector_load %arg14[%swap3A_806, %swap3A_807] {strides = array<i32>} : memref<16x1024xf32, #tpu.memory_space<vmem>>, vector<1x16xf32>,
      %swap3A_809 = vector.shape_cast %swap3A_808 : vector<1x16xf32> to vector<16xf32>
      %swap3A_810 = vector.shape_cast %add3A_805 : vector<16xf32> to vector<1x16xf32>
      tpu.vector_store %arg14[%swap3A_806, %swap3A_807], %swap3A_810 {strides = array<i32>} : memref<16x1024xf32, #tpu.memory_space<vmem>>, vector<1x16xf32>,
      %get3A_811 = arith.index_cast %scan3A_19 : i32 to index
      %get3A_812 = arith.constant 784 : index
      %get3A_813 = tpu.vector_load %arg10[%get3A_811, %get3A_812] {strides = array<i32>} : memref<16x1024xf32, #tpu.memory_space<vmem>>, vector<1x16xf32>,
      %get3A_814 = vector.shape_cast %get3A_813 : vector<1x16xf32> to vector<16xf32>
      %mul3A_815 = arith.mulf %get3A_23, %get3A_814 : vector<16xf32>
      %get3A_816 = arith.index_cast %scan3A_19 : i32 to index
      %get3A_817 = arith.constant 784 : index
      %get3A_818 = tpu.vector_load %arg11[%get3A_816, %get3A_817] {strides = array<i32>} : memref<16x1024xf32, #tpu.memory_space<vmem>>, vector<1x16xf32>,
      %get3A_819 = vector.shape_cast %get3A_818 : vector<1x16xf32> to vector<16xf32>
      %mul3A_820 = arith.mulf %get3A_27, %get3A_819 : vector<16xf32>
      %add3A_821 = arith.addf %mul3A_815, %mul3A_820 : vector<16xf32>
      %swap3A_822 = arith.index_cast %scan3A_19 : i32 to index
      %swap3A_823 = arith.constant 784 : index
      %swap3A_824 = tpu.vector_load %arg14[%swap3A_822, %swap3A_823] {strides = array<i32>} : memref<16x1024xf32, #tpu.memory_space<vmem>>, vector<1x16xf32>,
      %swap3A_825 = vector.shape_cast %swap3A_824 : vector<1x16xf32> to vector<16xf32>
      %swap3A_826 = vector.shape_cast %add3A_821 : vector<16xf32> to vector<1x16xf32>
      tpu.vector_store %arg14[%swap3A_822, %swap3A_823], %swap3A_826 {strides = array<i32>} : memref<16x1024xf32, #tpu.memory_space<vmem>>, vector<1x16xf32>,
      %get3A_827 = arith.index_cast %scan3A_19 : i32 to index
      %get3A_828 = arith.constant 800 : index
      %get3A_829 = tpu.vector_load %arg10[%get3A_827, %get3A_828] {strides = array<i32>} : memref<16x1024xf32, #tpu.memory_space<vmem>>, vector<1x16xf32>,
      %get3A_830 = vector.shape_cast %get3A_829 : vector<1x16xf32> to vector<16xf32>
      %mul3A_831 = arith.mulf %get3A_23, %get3A_830 : vector<16xf32>
      %get3A_832 = arith.index_cast %scan3A_19 : i32 to index
      %get3A_833 = arith.constant 800 : index
      %get3A_834 = tpu.vector_load %arg11[%get3A_832, %get3A_833] {strides = array<i32>} : memref<16x1024xf32, #tpu.memory_space<vmem>>, vector<1x16xf32>,
      %get3A_835 = vector.shape_cast %get3A_834 : vector<1x16xf32> to vector<16xf32>
      %mul3A_836 = arith.mulf %get3A_27, %get3A_835 : vector<16xf32>
      %add3A_837 = arith.addf %mul3A_831, %mul3A_836 : vector<16xf32>
      %swap3A_838 = arith.index_cast %scan3A_19 : i32 to index
      %swap3A_839 = arith.constant 800 : index
      %swap3A_840 = tpu.vector_load %arg14[%swap3A_838, %swap3A_839] {strides = array<i32>} : memref<16x1024xf32, #tpu.memory_space<vmem>>, vector<1x16xf32>,
      %swap3A_841 = vector.shape_cast %swap3A_840 : vector<1x16xf32> to vector<16xf32>
      %swap3A_842 = vector.shape_cast %add3A_837 : vector<16xf32> to vector<1x16xf32>
      tpu.vector_store %arg14[%swap3A_838, %swap3A_839], %swap3A_842 {strides = array<i32>} : memref<16x1024xf32, #tpu.memory_space<vmem>>, vector<1x16xf32>,
      %get3A_843 = arith.index_cast %scan3A_19 : i32 to index
      %get3A_844 = arith.constant 816 : index
      %get3A_845 = tpu.vector_load %arg10[%get3A_843, %get3A_844] {strides = array<i32>} : memref<16x1024xf32, #tpu.memory_space<vmem>>, vector<1x16xf32>,
      %get3A_846 = vector.shape_cast %get3A_845 : vector<1x16xf32> to vector<16xf32>
      %mul3A_847 = arith.mulf %get3A_23, %get3A_846 : vector<16xf32>
      %get3A_848 = arith.index_cast %scan3A_19 : i32 to index
      %get3A_849 = arith.constant 816 : index
      %get3A_850 = tpu.vector_load %arg11[%get3A_848, %get3A_849] {strides = array<i32>} : memref<16x1024xf32, #tpu.memory_space<vmem>>, vector<1x16xf32>,
      %get3A_851 = vector.shape_cast %get3A_850 : vector<1x16xf32> to vector<16xf32>
      %mul3A_852 = arith.mulf %get3A_27, %get3A_851 : vector<16xf32>
      %add3A_853 = arith.addf %mul3A_847, %mul3A_852 : vector<16xf32>
      %swap3A_854 = arith.index_cast %scan3A_19 : i32 to index
      %swap3A_855 = arith.constant 816 : index
      %swap3A_856 = tpu.vector_load %arg14[%swap3A_854, %swap3A_855] {strides = array<i32>} : memref<16x1024xf32, #tpu.memory_space<vmem>>, vector<1x16xf32>,
      %swap3A_857 = vector.shape_cast %swap3A_856 : vector<1x16xf32> to vector<16xf32>
      %swap3A_858 = vector.shape_cast %add3A_853 : vector<16xf32> to vector<1x16xf32>
      tpu.vector_store %arg14[%swap3A_854, %swap3A_855], %swap3A_858 {strides = array<i32>} : memref<16x1024xf32, #tpu.memory_space<vmem>>, vector<1x16xf32>,
      %get3A_859 = arith.index_cast %scan3A_19 : i32 to index
      %get3A_860 = arith.constant 832 : index
      %get3A_861 = tpu.vector_load %arg10[%get3A_859, %get3A_860] {strides = array<i32>} : memref<16x1024xf32, #tpu.memory_space<vmem>>, vector<1x16xf32>,
      %get3A_862 = vector.shape_cast %get3A_861 : vector<1x16xf32> to vector<16xf32>
      %mul3A_863 = arith.mulf %get3A_23, %get3A_862 : vector<16xf32>
      %get3A_864 = arith.index_cast %scan3A_19 : i32 to index
      %get3A_865 = arith.constant 832 : index
      %get3A_866 = tpu.vector_load %arg11[%get3A_864, %get3A_865] {strides = array<i32>} : memref<16x1024xf32, #tpu.memory_space<vmem>>, vector<1x16xf32>,
      %get3A_867 = vector.shape_cast %get3A_866 : vector<1x16xf32> to vector<16xf32>
      %mul3A_868 = arith.mulf %get3A_27, %get3A_867 : vector<16xf32>
      %add3A_869 = arith.addf %mul3A_863, %mul3A_868 : vector<16xf32>
      %swap3A_870 = arith.index_cast %scan3A_19 : i32 to index
      %swap3A_871 = arith.constant 832 : index
      %swap3A_872 = tpu.vector_load %arg14[%swap3A_870, %swap3A_871] {strides = array<i32>} : memref<16x1024xf32, #tpu.memory_space<vmem>>, vector<1x16xf32>,
      %swap3A_873 = vector.shape_cast %swap3A_872 : vector<1x16xf32> to vector<16xf32>
      %swap3A_874 = vector.shape_cast %add3A_869 : vector<16xf32> to vector<1x16xf32>
      tpu.vector_store %arg14[%swap3A_870, %swap3A_871], %swap3A_874 {strides = array<i32>} : memref<16x1024xf32, #tpu.memory_space<vmem>>, vector<1x16xf32>,
      %get3A_875 = arith.index_cast %scan3A_19 : i32 to index
      %get3A_876 = arith.constant 848 : index
      %get3A_877 = tpu.vector_load %arg10[%get3A_875, %get3A_876] {strides = array<i32>} : memref<16x1024xf32, #tpu.memory_space<vmem>>, vector<1x16xf32>,
      %get3A_878 = vector.shape_cast %get3A_877 : vector<1x16xf32> to vector<16xf32>
      %mul3A_879 = arith.mulf %get3A_23, %get3A_878 : vector<16xf32>
      %get3A_880 = arith.index_cast %scan3A_19 : i32 to index
      %get3A_881 = arith.constant 848 : index
      %get3A_882 = tpu.vector_load %arg11[%get3A_880, %get3A_881] {strides = array<i32>} : memref<16x1024xf32, #tpu.memory_space<vmem>>, vector<1x16xf32>,
      %get3A_883 = vector.shape_cast %get3A_882 : vector<1x16xf32> to vector<16xf32>
      %mul3A_884 = arith.mulf %get3A_27, %get3A_883 : vector<16xf32>
      %add3A_885 = arith.addf %mul3A_879, %mul3A_884 : vector<16xf32>
      %swap3A_886 = arith.index_cast %scan3A_19 : i32 to index
      %swap3A_887 = arith.constant 848 : index
      %swap3A_888 = tpu.vector_load %arg14[%swap3A_886, %swap3A_887] {strides = array<i32>} : memref<16x1024xf32, #tpu.memory_space<vmem>>, vector<1x16xf32>,
      %swap3A_889 = vector.shape_cast %swap3A_888 : vector<1x16xf32> to vector<16xf32>
      %swap3A_890 = vector.shape_cast %add3A_885 : vector<16xf32> to vector<1x16xf32>
      tpu.vector_store %arg14[%swap3A_886, %swap3A_887], %swap3A_890 {strides = array<i32>} : memref<16x1024xf32, #tpu.memory_space<vmem>>, vector<1x16xf32>,
      %get3A_891 = arith.index_cast %scan3A_19 : i32 to index
      %get3A_892 = arith.constant 864 : index
      %get3A_893 = tpu.vector_load %arg10[%get3A_891, %get3A_892] {strides = array<i32>} : memref<16x1024xf32, #tpu.memory_space<vmem>>, vector<1x16xf32>,
      %get3A_894 = vector.shape_cast %get3A_893 : vector<1x16xf32> to vector<16xf32>
      %mul3A_895 = arith.mulf %get3A_23, %get3A_894 : vector<16xf32>
      %get3A_896 = arith.index_cast %scan3A_19 : i32 to index
      %get3A_897 = arith.constant 864 : index
      %get3A_898 = tpu.vector_load %arg11[%get3A_896, %get3A_897] {strides = array<i32>} : memref<16x1024xf32, #tpu.memory_space<vmem>>, vector<1x16xf32>,
      %get3A_899 = vector.shape_cast %get3A_898 : vector<1x16xf32> to vector<16xf32>
      %mul3A_900 = arith.mulf %get3A_27, %get3A_899 : vector<16xf32>
      %add3A_901 = arith.addf %mul3A_895, %mul3A_900 : vector<16xf32>
      %swap3A_902 = arith.index_cast %scan3A_19 : i32 to index
      %swap3A_903 = arith.constant 864 : index
      %swap3A_904 = tpu.vector_load %arg14[%swap3A_902, %swap3A_903] {strides = array<i32>} : memref<16x1024xf32, #tpu.memory_space<vmem>>, vector<1x16xf32>,
      %swap3A_905 = vector.shape_cast %swap3A_904 : vector<1x16xf32> to vector<16xf32>
      %swap3A_906 = vector.shape_cast %add3A_901 : vector<16xf32> to vector<1x16xf32>
      tpu.vector_store %arg14[%swap3A_902, %swap3A_903], %swap3A_906 {strides = array<i32>} : memref<16x1024xf32, #tpu.memory_space<vmem>>, vector<1x16xf32>,
      %get3A_907 = arith.index_cast %scan3A_19 : i32 to index
      %get3A_908 = arith.constant 880 : index
      %get3A_909 = tpu.vector_load %arg10[%get3A_907, %get3A_908] {strides = array<i32>} : memref<16x1024xf32, #tpu.memory_space<vmem>>, vector<1x16xf32>,
      %get3A_910 = vector.shape_cast %get3A_909 : vector<1x16xf32> to vector<16xf32>
      %mul3A_911 = arith.mulf %get3A_23, %get3A_910 : vector<16xf32>
      %get3A_912 = arith.index_cast %scan3A_19 : i32 to index
      %get3A_913 = arith.constant 880 : index
      %get3A_914 = tpu.vector_load %arg11[%get3A_912, %get3A_913] {strides = array<i32>} : memref<16x1024xf32, #tpu.memory_space<vmem>>, vector<1x16xf32>,
      %get3A_915 = vector.shape_cast %get3A_914 : vector<1x16xf32> to vector<16xf32>
      %mul3A_916 = arith.mulf %get3A_27, %get3A_915 : vector<16xf32>
      %add3A_917 = arith.addf %mul3A_911, %mul3A_916 : vector<16xf32>
      %swap3A_918 = arith.index_cast %scan3A_19 : i32 to index
      %swap3A_919 = arith.constant 880 : index
      %swap3A_920 = tpu.vector_load %arg14[%swap3A_918, %swap3A_919] {strides = array<i32>} : memref<16x1024xf32, #tpu.memory_space<vmem>>, vector<1x16xf32>,
      %swap3A_921 = vector.shape_cast %swap3A_920 : vector<1x16xf32> to vector<16xf32>
      %swap3A_922 = vector.shape_cast %add3A_917 : vector<16xf32> to vector<1x16xf32>
      tpu.vector_store %arg14[%swap3A_918, %swap3A_919], %swap3A_922 {strides = array<i32>} : memref<16x1024xf32, #tpu.memory_space<vmem>>, vector<1x16xf32>,
      %get3A_923 = arith.index_cast %scan3A_19 : i32 to index
      %get3A_924 = arith.constant 896 : index
      %get3A_925 = tpu.vector_load %arg10[%get3A_923, %get3A_924] {strides = array<i32>} : memref<16x1024xf32, #tpu.memory_space<vmem>>, vector<1x16xf32>,
      %get3A_926 = vector.shape_cast %get3A_925 : vector<1x16xf32> to vector<16xf32>
      %mul3A_927 = arith.mulf %get3A_23, %get3A_926 : vector<16xf32>
      %get3A_928 = arith.index_cast %scan3A_19 : i32 to index
      %get3A_929 = arith.constant 896 : index
      %get3A_930 = tpu.vector_load %arg11[%get3A_928, %get3A_929] {strides = array<i32>} : memref<16x1024xf32, #tpu.memory_space<vmem>>, vector<1x16xf32>,
      %get3A_931 = vector.shape_cast %get3A_930 : vector<1x16xf32> to vector<16xf32>
      %mul3A_932 = arith.mulf %get3A_27, %get3A_931 : vector<16xf32>
      %add3A_933 = arith.addf %mul3A_927, %mul3A_932 : vector<16xf32>
      %swap3A_934 = arith.index_cast %scan3A_19 : i32 to index
      %swap3A_935 = arith.constant 896 : index
      %swap3A_936 = tpu.vector_load %arg14[%swap3A_934, %swap3A_935] {strides = array<i32>} : memref<16x1024xf32, #tpu.memory_space<vmem>>, vector<1x16xf32>,
      %swap3A_937 = vector.shape_cast %swap3A_936 : vector<1x16xf32> to vector<16xf32>
      %swap3A_938 = vector.shape_cast %add3A_933 : vector<16xf32> to vector<1x16xf32>
      tpu.vector_store %arg14[%swap3A_934, %swap3A_935], %swap3A_938 {strides = array<i32>} : memref<16x1024xf32, #tpu.memory_space<vmem>>, vector<1x16xf32>,
      %get3A_939 = arith.index_cast %scan3A_19 : i32 to index
      %get3A_940 = arith.constant 912 : index
      %get3A_941 = tpu.vector_load %arg10[%get3A_939, %get3A_940] {strides = array<i32>} : memref<16x1024xf32, #tpu.memory_space<vmem>>, vector<1x16xf32>,
      %get3A_942 = vector.shape_cast %get3A_941 : vector<1x16xf32> to vector<16xf32>
      %mul3A_943 = arith.mulf %get3A_23, %get3A_942 : vector<16xf32>
      %get3A_944 = arith.index_cast %scan3A_19 : i32 to index
      %get3A_945 = arith.constant 912 : index
      %get3A_946 = tpu.vector_load %arg11[%get3A_944, %get3A_945] {strides = array<i32>} : memref<16x1024xf32, #tpu.memory_space<vmem>>, vector<1x16xf32>,
      %get3A_947 = vector.shape_cast %get3A_946 : vector<1x16xf32> to vector<16xf32>
      %mul3A_948 = arith.mulf %get3A_27, %get3A_947 : vector<16xf32>
      %add3A_949 = arith.addf %mul3A_943, %mul3A_948 : vector<16xf32>
      %swap3A_950 = arith.index_cast %scan3A_19 : i32 to index
      %swap3A_951 = arith.constant 912 : index
      %swap3A_952 = tpu.vector_load %arg14[%swap3A_950, %swap3A_951] {strides = array<i32>} : memref<16x1024xf32, #tpu.memory_space<vmem>>, vector<1x16xf32>,
      %swap3A_953 = vector.shape_cast %swap3A_952 : vector<1x16xf32> to vector<16xf32>
      %swap3A_954 = vector.shape_cast %add3A_949 : vector<16xf32> to vector<1x16xf32>
      tpu.vector_store %arg14[%swap3A_950, %swap3A_951], %swap3A_954 {strides = array<i32>} : memref<16x1024xf32, #tpu.memory_space<vmem>>, vector<1x16xf32>,
      %get3A_955 = arith.index_cast %scan3A_19 : i32 to index
      %get3A_956 = arith.constant 928 : index
      %get3A_957 = tpu.vector_load %arg10[%get3A_955, %get3A_956] {strides = array<i32>} : memref<16x1024xf32, #tpu.memory_space<vmem>>, vector<1x16xf32>,
      %get3A_958 = vector.shape_cast %get3A_957 : vector<1x16xf32> to vector<16xf32>
      %mul3A_959 = arith.mulf %get3A_23, %get3A_958 : vector<16xf32>
      %get3A_960 = arith.index_cast %scan3A_19 : i32 to index
      %get3A_961 = arith.constant 928 : index
      %get3A_962 = tpu.vector_load %arg11[%get3A_960, %get3A_961] {strides = array<i32>} : memref<16x1024xf32, #tpu.memory_space<vmem>>, vector<1x16xf32>,
      %get3A_963 = vector.shape_cast %get3A_962 : vector<1x16xf32> to vector<16xf32>
      %mul3A_964 = arith.mulf %get3A_27, %get3A_963 : vector<16xf32>
      %add3A_965 = arith.addf %mul3A_959, %mul3A_964 : vector<16xf32>
      %swap3A_966 = arith.index_cast %scan3A_19 : i32 to index
      %swap3A_967 = arith.constant 928 : index
      %swap3A_968 = tpu.vector_load %arg14[%swap3A_966, %swap3A_967] {strides = array<i32>} : memref<16x1024xf32, #tpu.memory_space<vmem>>, vector<1x16xf32>,
      %swap3A_969 = vector.shape_cast %swap3A_968 : vector<1x16xf32> to vector<16xf32>
      %swap3A_970 = vector.shape_cast %add3A_965 : vector<16xf32> to vector<1x16xf32>
      tpu.vector_store %arg14[%swap3A_966, %swap3A_967], %swap3A_970 {strides = array<i32>} : memref<16x1024xf32, #tpu.memory_space<vmem>>, vector<1x16xf32>,
      %get3A_971 = arith.index_cast %scan3A_19 : i32 to index
      %get3A_972 = arith.constant 944 : index
      %get3A_973 = tpu.vector_load %arg10[%get3A_971, %get3A_972] {strides = array<i32>} : memref<16x1024xf32, #tpu.memory_space<vmem>>, vector<1x16xf32>,
      %get3A_974 = vector.shape_cast %get3A_973 : vector<1x16xf32> to vector<16xf32>
      %mul3A_975 = arith.mulf %get3A_23, %get3A_974 : vector<16xf32>
      %get3A_976 = arith.index_cast %scan3A_19 : i32 to index
      %get3A_977 = arith.constant 944 : index
      %get3A_978 = tpu.vector_load %arg11[%get3A_976, %get3A_977] {strides = array<i32>} : memref<16x1024xf32, #tpu.memory_space<vmem>>, vector<1x16xf32>,
      %get3A_979 = vector.shape_cast %get3A_978 : vector<1x16xf32> to vector<16xf32>
      %mul3A_980 = arith.mulf %get3A_27, %get3A_979 : vector<16xf32>
      %add3A_981 = arith.addf %mul3A_975, %mul3A_980 : vector<16xf32>
      %swap3A_982 = arith.index_cast %scan3A_19 : i32 to index
      %swap3A_983 = arith.constant 944 : index
      %swap3A_984 = tpu.vector_load %arg14[%swap3A_982, %swap3A_983] {strides = array<i32>} : memref<16x1024xf32, #tpu.memory_space<vmem>>, vector<1x16xf32>,
      %swap3A_985 = vector.shape_cast %swap3A_984 : vector<1x16xf32> to vector<16xf32>
      %swap3A_986 = vector.shape_cast %add3A_981 : vector<16xf32> to vector<1x16xf32>
      tpu.vector_store %arg14[%swap3A_982, %swap3A_983], %swap3A_986 {strides = array<i32>} : memref<16x1024xf32, #tpu.memory_space<vmem>>, vector<1x16xf32>,
      %get3A_987 = arith.index_cast %scan3A_19 : i32 to index
      %get3A_988 = arith.constant 960 : index
      %get3A_989 = tpu.vector_load %arg10[%get3A_987, %get3A_988] {strides = array<i32>} : memref<16x1024xf32, #tpu.memory_space<vmem>>, vector<1x16xf32>,
      %get3A_990 = vector.shape_cast %get3A_989 : vector<1x16xf32> to vector<16xf32>
      %mul3A_991 = arith.mulf %get3A_23, %get3A_990 : vector<16xf32>
      %get3A_992 = arith.index_cast %scan3A_19 : i32 to index
      %get3A_993 = arith.constant 960 : index
      %get3A_994 = tpu.vector_load %arg11[%get3A_992, %get3A_993] {strides = array<i32>} : memref<16x1024xf32, #tpu.memory_space<vmem>>, vector<1x16xf32>,
      %get3A_995 = vector.shape_cast %get3A_994 : vector<1x16xf32> to vector<16xf32>
      %mul3A_996 = arith.mulf %get3A_27, %get3A_995 : vector<16xf32>
      %add3A_997 = arith.addf %mul3A_991, %mul3A_996 : vector<16xf32>
      %swap3A_998 = arith.index_cast %scan3A_19 : i32 to index
      %swap3A_999 = arith.constant 960 : index
      %swap3A_1000 = tpu.vector_load %arg14[%swap3A_998, %swap3A_999] {strides = array<i32>} : memref<16x1024xf32, #tpu.memory_space<vmem>>, vector<1x16xf32>,
      %swap3A_1001 = vector.shape_cast %swap3A_1000 : vector<1x16xf32> to vector<16xf32>
      %swap3A_1002 = vector.shape_cast %add3A_997 : vector<16xf32> to vector<1x16xf32>
      tpu.vector_store %arg14[%swap3A_998, %swap3A_999], %swap3A_1002 {strides = array<i32>} : memref<16x1024xf32, #tpu.memory_space<vmem>>, vector<1x16xf32>,
      %get3A_1003 = arith.index_cast %scan3A_19 : i32 to index
      %get3A_1004 = arith.constant 976 : index
      %get3A_1005 = tpu.vector_load %arg10[%get3A_1003, %get3A_1004] {strides = array<i32>} : memref<16x1024xf32, #tpu.memory_space<vmem>>, vector<1x16xf32>,
      %get3A_1006 = vector.shape_cast %get3A_1005 : vector<1x16xf32> to vector<16xf32>
      %mul3A_1007 = arith.mulf %get3A_23, %get3A_1006 : vector<16xf32>
      %get3A_1008 = arith.index_cast %scan3A_19 : i32 to index
      %get3A_1009 = arith.constant 976 : index
      %get3A_1010 = tpu.vector_load %arg11[%get3A_1008, %get3A_1009] {strides = array<i32>} : memref<16x1024xf32, #tpu.memory_space<vmem>>, vector<1x16xf32>,
      %get3A_1011 = vector.shape_cast %get3A_1010 : vector<1x16xf32> to vector<16xf32>
      %mul3A_1012 = arith.mulf %get3A_27, %get3A_1011 : vector<16xf32>
      %add3A_1013 = arith.addf %mul3A_1007, %mul3A_1012 : vector<16xf32>
      %swap3A_1014 = arith.index_cast %scan3A_19 : i32 to index
      %swap3A_1015 = arith.constant 976 : index
      %swap3A_1016 = tpu.vector_load %arg14[%swap3A_1014, %swap3A_1015] {strides = array<i32>} : memref<16x1024xf32, #tpu.memory_space<vmem>>, vector<1x16xf32>,
      %swap3A_1017 = vector.shape_cast %swap3A_1016 : vector<1x16xf32> to vector<16xf32>
      %swap3A_1018 = vector.shape_cast %add3A_1013 : vector<16xf32> to vector<1x16xf32>
      tpu.vector_store %arg14[%swap3A_1014, %swap3A_1015], %swap3A_1018 {strides = array<i32>} : memref<16x1024xf32, #tpu.memory_space<vmem>>, vector<1x16xf32>,
      %get3A_1019 = arith.index_cast %scan3A_19 : i32 to index
      %get3A_1020 = arith.constant 992 : index
      %get3A_1021 = tpu.vector_load %arg10[%get3A_1019, %get3A_1020] {strides = array<i32>} : memref<16x1024xf32, #tpu.memory_space<vmem>>, vector<1x16xf32>,
      %get3A_1022 = vector.shape_cast %get3A_1021 : vector<1x16xf32> to vector<16xf32>
      %mul3A_1023 = arith.mulf %get3A_23, %get3A_1022 : vector<16xf32>
      %get3A_1024 = arith.index_cast %scan3A_19 : i32 to index
      %get3A_1025 = arith.constant 992 : index
      %get3A_1026 = tpu.vector_load %arg11[%get3A_1024, %get3A_1025] {strides = array<i32>} : memref<16x1024xf32, #tpu.memory_space<vmem>>, vector<1x16xf32>,
      %get3A_1027 = vector.shape_cast %get3A_1026 : vector<1x16xf32> to vector<16xf32>
      %mul3A_1028 = arith.mulf %get3A_27, %get3A_1027 : vector<16xf32>
      %add3A_1029 = arith.addf %mul3A_1023, %mul3A_1028 : vector<16xf32>
      %swap3A_1030 = arith.index_cast %scan3A_19 : i32 to index
      %swap3A_1031 = arith.constant 992 : index
      %swap3A_1032 = tpu.vector_load %arg14[%swap3A_1030, %swap3A_1031] {strides = array<i32>} : memref<16x1024xf32, #tpu.memory_space<vmem>>, vector<1x16xf32>,
      %swap3A_1033 = vector.shape_cast %swap3A_1032 : vector<1x16xf32> to vector<16xf32>
      %swap3A_1034 = vector.shape_cast %add3A_1029 : vector<16xf32> to vector<1x16xf32>
      tpu.vector_store %arg14[%swap3A_1030, %swap3A_1031], %swap3A_1034 {strides = array<i32>} : memref<16x1024xf32, #tpu.memory_space<vmem>>, vector<1x16xf32>,
      %get3A_1035 = arith.index_cast %scan3A_19 : i32 to index
      %get3A_1036 = arith.constant 1008 : index
      %get3A_1037 = tpu.vector_load %arg10[%get3A_1035, %get3A_1036] {strides = array<i32>} : memref<16x1024xf32, #tpu.memory_space<vmem>>, vector<1x16xf32>,
      %get3A_1038 = vector.shape_cast %get3A_1037 : vector<1x16xf32> to vector<16xf32>
      %mul3A_1039 = arith.mulf %get3A_23, %get3A_1038 : vector<16xf32>
      %get3A_1040 = arith.index_cast %scan3A_19 : i32 to index
      %get3A_1041 = arith.constant 1008 : index
      %get3A_1042 = tpu.vector_load %arg11[%get3A_1040, %get3A_1041] {strides = array<i32>} : memref<16x1024xf32, #tpu.memory_space<vmem>>, vector<1x16xf32>,
      %get3A_1043 = vector.shape_cast %get3A_1042 : vector<1x16xf32> to vector<16xf32>
      %mul3A_1044 = arith.mulf %get3A_27, %get3A_1043 : vector<16xf32>
      %add3A_1045 = arith.addf %mul3A_1039, %mul3A_1044 : vector<16xf32>
      %swap3A_1046 = arith.index_cast %scan3A_19 : i32 to index
      %swap3A_1047 = arith.constant 1008 : index
      %swap3A_1048 = tpu.vector_load %arg14[%swap3A_1046, %swap3A_1047] {strides = array<i32>} : memref<16x1024xf32, #tpu.memory_space<vmem>>, vector<1x16xf32>,
      %swap3A_1049 = vector.shape_cast %swap3A_1048 : vector<1x16xf32> to vector<16xf32>
      %swap3A_1050 = vector.shape_cast %add3A_1045 : vector<16xf32> to vector<1x16xf32>
      tpu.vector_store %arg14[%swap3A_1046, %swap3A_1047], %swap3A_1050 {strides = array<i32>} : memref<16x1024xf32, #tpu.memory_space<vmem>>, vector<1x16xf32>,
      %scan3A_1051 = arith.constant 0 : i32
      scf.yield %scan3A_1051 : i32
    }
    %scan3A_18 = arith.constant 16 : i32
    "tpu.region"() ({
      %run_scoped3A = tpu.sem_alloc : memref<!tpu.dma_semaphore, #tpu.memory_space<semaphore_mem>>
      %dma_start3A_19 = arith.constant 0 : i32
      %dma_start3A_20 = tpu.memref_slice %arg7[%mul3A_2, %dma_start3A_19] : memref<512x1024xf32, #tpu.memory_space<hbm>> -> memref<16x1024xf32, #tpu.memory_space<hbm>>
      %dma_start3A_21 = arith.constant 0 : i32
      %dma_start3A_22 = tpu.memref_slice %arg7[%mul3A_2, %dma_start3A_21] : memref<512x1024xf32, #tpu.memory_space<hbm>> -> memref<16x1024xf32, #tpu.memory_space<hbm>>
      tpu.enqueue_dma source(%arg14 : memref<16x1024xf32, #tpu.memory_space<vmem>>) target(%dma_start3A_22 : memref<16x1024xf32, #tpu.memory_space<hbm>>) target_semaphore(%run_scoped3A : memref<!tpu.dma_semaphore, #tpu.memory_space<semaphore_mem>>)
      %dma_wait3A_23 = arith.constant 0 : i32
      %dma_wait3A_24 = tpu.memref_slice %arg7[%mul3A_2, %dma_wait3A_23] : memref<512x1024xf32, #tpu.memory_space<hbm>> -> memref<16x1024xf32, #tpu.memory_space<hbm>>
      %dma_wait3A_25 = arith.constant 0 : i32
      %dma_wait3A_26 = tpu.memref_slice %arg7[%mul3A_2, %dma_wait3A_25] : memref<512x1024xf32, #tpu.memory_space<hbm>> -> memref<16x1024xf32, #tpu.memory_space<hbm>>
      tpu.wait_dma2 semaphore(%run_scoped3A : memref<!tpu.dma_semaphore, #tpu.memory_space<semaphore_mem>>) src(%arg14 : memref<16x1024xf32, #tpu.memory_space<vmem>>) dst(%dma_wait3A_26 : memref<16x1024xf32, #tpu.memory_space<hbm>>)
      tpu.yield
    }) : () -> ()
    return
  }
}

#map = affine_map<(d0, d1) -> (0, 0)>
module attributes {stable_mosaic.version = 14 : i64} {
  func.func @k(%arg0: i32, %arg1: i32, %arg2: memref<512x1024xf32, #tpu.memory_space<hbm>>, %arg3: memref<32x32xi32, #tpu.memory_space<hbm>>, %arg4: memref<4096x1024xf32, #tpu.memory_space<hbm>>, %arg5: memref<32xi32, #tpu.memory_space<vmem>>, %arg6: memref<32x1024xf32, #tpu.memory_space<vmem>>, %arg7: memref<!tpu.dma_semaphore, #tpu.memory_space<semaphore_mem>>) attributes {dimension_semantics = [#tpu.dimension_semantics<core_parallel>, #tpu.dimension_semantics<subcore_parallel>], iteration_bounds = array<i64: 2, 16>, scalar_prefetch = 0 : i64, scratch_operands = 3 : i64, tpu.core_type = #tpu.core_type<sc_vector_subcore>, window_params = [{transform_indices = #map}, {transform_indices = #map}, {transform_indices = #map}]} {
    %mul3A = arith.constant 2 : i32
    %mul3A_0 = arith.muli %arg1, %mul3A : i32
    %add3A = arith.addi %mul3A_0, %arg0 : i32
    %mul3A_1 = arith.constant 32 : i32
    %mul3A_2 = arith.muli %mul3A_1, %add3A : i32
    %jit3A = arith.constant 512 : i32
    %eq3A = arith.constant 0 : i32
    %eq3A_3 = arith.cmpi eq, %jit3A, %eq3A : i32
    %jit3A_4 = arith.constant 1 : i32
    %select_n3A = arith.select %eq3A_3, %jit3A_4, %jit3A : i32
    %rem3A = arith.remsi %mul3A_2, %select_n3A : i32
    %ne3A = arith.constant 0 : i32
    %ne3A_5 = arith.cmpi ne, %rem3A, %ne3A : i32
    %lt3A = arith.constant 0 : i32
    %lt3A_6 = arith.cmpi slt, %rem3A, %lt3A : i32
    %lt3A_7 = arith.constant 0 : i32
    %lt3A_8 = arith.cmpi slt, %select_n3A, %lt3A_7 : i32
    %ne3A_9 = arith.xori %lt3A_6, %lt3A_8 : i1
    %and3A = arith.andi %ne3A_9, %ne3A_5 : i1
    %add3A_10 = arith.addi %rem3A, %select_n3A : i32
    %select_n3A_11 = arith.select %and3A, %add3A_10, %rem3A : i32
    "tpu.region"() ({
      %run_scoped3A = tpu.sem_alloc : memref<!tpu.dma_semaphore, #tpu.memory_space<semaphore_mem>>
      %dma_start3A_16 = arith.constant 0 : i32
      %dma_start3A_17 = tpu.memref_slice %arg3[%add3A, %dma_start3A_16] : memref<32x32xi32, #tpu.memory_space<hbm>> -> memref<1x32xi32, #tpu.memory_space<hbm>>
      %dma_start3A_18 = tpu.memref_squeeze %dma_start3A_17 : memref<1x32xi32, #tpu.memory_space<hbm>> -> memref<32xi32, #tpu.memory_space<hbm>>
      %dma_start3A_19 = arith.constant 0 : i32
      %dma_start3A_20 = tpu.memref_slice %arg3[%add3A, %dma_start3A_19] : memref<32x32xi32, #tpu.memory_space<hbm>> -> memref<1x32xi32, #tpu.memory_space<hbm>>
      %dma_start3A_21 = tpu.memref_squeeze %dma_start3A_20 : memref<1x32xi32, #tpu.memory_space<hbm>> -> memref<32xi32, #tpu.memory_space<hbm>>
      tpu.enqueue_dma source(%dma_start3A_21 : memref<32xi32, #tpu.memory_space<hbm>>) target(%arg5 : memref<32xi32, #tpu.memory_space<vmem>>) target_semaphore(%run_scoped3A : memref<!tpu.dma_semaphore, #tpu.memory_space<semaphore_mem>>)
      %dma_wait3A_22 = arith.constant 0 : i32
      %dma_wait3A_23 = tpu.memref_slice %arg3[%add3A, %dma_wait3A_22] : memref<32x32xi32, #tpu.memory_space<hbm>> -> memref<1x32xi32, #tpu.memory_space<hbm>>
      %dma_wait3A_24 = tpu.memref_squeeze %dma_wait3A_23 : memref<1x32xi32, #tpu.memory_space<hbm>> -> memref<32xi32, #tpu.memory_space<hbm>>
      %dma_wait3A_25 = arith.constant 0 : i32
      %dma_wait3A_26 = tpu.memref_slice %arg3[%add3A, %dma_wait3A_25] : memref<32x32xi32, #tpu.memory_space<hbm>> -> memref<1x32xi32, #tpu.memory_space<hbm>>
      %dma_wait3A_27 = tpu.memref_squeeze %dma_wait3A_26 : memref<1x32xi32, #tpu.memory_space<hbm>> -> memref<32xi32, #tpu.memory_space<hbm>>
      tpu.wait_dma2 semaphore(%run_scoped3A : memref<!tpu.dma_semaphore, #tpu.memory_space<semaphore_mem>>) src(%dma_wait3A_27 : memref<32xi32, #tpu.memory_space<hbm>>) dst(%arg5 : memref<32xi32, #tpu.memory_space<vmem>>)
      tpu.yield
    }) : () -> ()
    "tpu.region"() ({
      %run_scoped3A = tpu.sem_alloc : memref<!tpu.dma_semaphore, #tpu.memory_space<semaphore_mem>>
      %dma_start3A_16 = arith.constant 0 : i32
      %dma_start3A_17 = tpu.memref_slice %arg2[%select_n3A_11, %dma_start3A_16] : memref<512x1024xf32, #tpu.memory_space<hbm>> -> memref<32x1024xf32, #tpu.memory_space<hbm>>
      %dma_start3A_18 = arith.constant 0 : i32
      %dma_start3A_19 = tpu.memref_slice %arg2[%select_n3A_11, %dma_start3A_18] : memref<512x1024xf32, #tpu.memory_space<hbm>> -> memref<32x1024xf32, #tpu.memory_space<hbm>>
      tpu.enqueue_dma source(%dma_start3A_19 : memref<32x1024xf32, #tpu.memory_space<hbm>>) target(%arg6 : memref<32x1024xf32, #tpu.memory_space<vmem>>) target_semaphore(%run_scoped3A : memref<!tpu.dma_semaphore, #tpu.memory_space<semaphore_mem>>)
      %dma_wait3A_20 = arith.constant 0 : i32
      %dma_wait3A_21 = tpu.memref_slice %arg2[%select_n3A_11, %dma_wait3A_20] : memref<512x1024xf32, #tpu.memory_space<hbm>> -> memref<32x1024xf32, #tpu.memory_space<hbm>>
      %dma_wait3A_22 = arith.constant 0 : i32
      %dma_wait3A_23 = tpu.memref_slice %arg2[%select_n3A_11, %dma_wait3A_22] : memref<512x1024xf32, #tpu.memory_space<hbm>> -> memref<32x1024xf32, #tpu.memory_space<hbm>>
      tpu.wait_dma2 semaphore(%run_scoped3A : memref<!tpu.dma_semaphore, #tpu.memory_space<semaphore_mem>>) src(%dma_wait3A_23 : memref<32x1024xf32, #tpu.memory_space<hbm>>) dst(%arg6 : memref<32x1024xf32, #tpu.memory_space<vmem>>)
      tpu.yield
    }) : () -> ()
    %dma_start3A = arith.constant 0 : i32
    %dma_start3A_12 = arith.constant 0 : i32
    %dma_start3A_13 = tpu.memref_slice %arg4[%dma_start3A, %dma_start3A_12] : memref<4096x1024xf32, #tpu.memory_space<hbm>> -> memref<4096x1024xf32, #tpu.memory_space<hbm>>
    tpu.enqueue_indirect_dma source(%arg6 : memref<32x1024xf32, #tpu.memory_space<vmem>>) target(%dma_start3A_13 : memref<4096x1024xf32, #tpu.memory_space<hbm>>) offsets(%arg5 : memref<32xi32, #tpu.memory_space<vmem>>) semaphore(%arg7 : memref<!tpu.dma_semaphore, #tpu.memory_space<semaphore_mem>>)
    %dma_wait3A = arith.constant 0 : i32
    %dma_wait3A_14 = arith.constant 0 : i32
    %dma_wait3A_15 = tpu.memref_slice %arg4[%dma_wait3A, %dma_wait3A_14] : memref<4096x1024xf32, #tpu.memory_space<hbm>> -> memref<4096x1024xf32, #tpu.memory_space<hbm>>
    tpu.wait_indirect_dma semaphore(%arg7 : memref<!tpu.dma_semaphore, #tpu.memory_space<semaphore_mem>>) src(%arg6 : memref<32x1024xf32, #tpu.memory_space<vmem>>) dst(%dma_wait3A_15 : memref<4096x1024xf32, #tpu.memory_space<hbm>>)
    return
  }
}

module attributes {stable_mosaic.version = 14 : i64} {
  func.func @_router_body(%arg0: memref<512x1024xf32, #tpu.memory_space<vmem>>, %arg1: memref<1024x8xf32, #tpu.memory_space<vmem>>, %arg2: memref<8x128xi32, #tpu.memory_space<vmem>>, %arg3: memref<8x128xf32, #tpu.memory_space<vmem>>, %arg4: memref<1x8xi32, #tpu.memory_space<vmem>>) attributes {dimension_semantics = [], scalar_prefetch = 0 : i64, scratch_operands = 0 : i64, tpu.core_type = #tpu.core_type<tc>} {
    %get3A = arith.constant 0 : index
    %get3A_0 = arith.constant 0 : index
    %get3A_1 = vector.load %arg0[%get3A, %get3A_0] : memref<512x1024xf32, #tpu.memory_space<vmem>>, vector<512x1024xf32>
    %get3A_2 = arith.constant 0 : index
    %get3A_3 = arith.constant 0 : index
    %get3A_4 = vector.load %arg1[%get3A_2, %get3A_3] : memref<1024x8xf32, #tpu.memory_space<vmem>>, vector<1024x8xf32>
    %dot_general3A = arith.constant dense<0.000000e+00> : vector<512x8xf32>
    %dot_general3A_5 = tpu.matmul %get3A_1, %get3A_4, %dot_general3A {dimension_numbers = #tpu.dot_dimension_numbers<[1], [0], [0], [1], [0, 0, 1, 1], [], []>, transpose_lhs_hint = false} : vector<512x1024xf32>, vector<1024x8xf32>, vector<512x8xf32> -> vector<512x8xf32>
    %iota3A = tpu.iota {dimensions = array<i32: 1>} : vector<512x8xi32>
    %reduce_max3A = arith.constant dense<0xFF800000> : vector<512xf32>
    %reduce_max3A_6 = vector.multi_reduction <maximumf>, %dot_general3A_5, %reduce_max3A [1] : vector<512x8xf32> to vector<512xf32>
    %broadcast_in_dim3A = vector.shape_cast %reduce_max3A_6 : vector<512xf32> to vector<512x1xf32>
    %eq3A = vector.broadcast %broadcast_in_dim3A : vector<512x1xf32> to vector<512x8xf32>
    %eq3A_7 = arith.cmpf oeq, %dot_general3A_5, %eq3A : vector<512x8xf32>
    %jit3A = arith.constant 8 : i32
    %broadcast_in_dim3A_8 = vector.broadcast %jit3A : i32 to vector<512x8xi32>
    %select_n3A = arith.select %eq3A_7, %iota3A, %broadcast_in_dim3A_8 : vector<512x8xi1>, vector<512x8xi32>
    %reduce_min3A = arith.constant dense<2147483647> : vector<512xi32>
    %reduce_min3A_9 = vector.multi_reduction <minsi>, %select_n3A, %reduce_min3A [1] : vector<512x8xi32> to vector<512xi32>
    %broadcast_in_dim3A_10 = vector.shape_cast %reduce_min3A_9 : vector<512xi32> to vector<512x1xi32>
    %eq3A_11 = vector.broadcast %broadcast_in_dim3A_10 : vector<512x1xi32> to vector<512x8xi32>
    %eq3A_12 = arith.cmpi eq, %iota3A, %eq3A_11 : vector<512x8xi32>
    %jit3A_13 = arith.constant 0xFF800000 : f32
    %broadcast_in_dim3A_14 = vector.broadcast %jit3A_13 : f32 to vector<512x8xf32>
    %select_n3A_15 = arith.select %eq3A_12, %broadcast_in_dim3A_14, %dot_general3A_5 : vector<512x8xi1>, vector<512x8xf32>
    %reduce_max3A_16 = arith.constant dense<0xFF800000> : vector<512xf32>
    %reduce_max3A_17 = vector.multi_reduction <maximumf>, %select_n3A_15, %reduce_max3A_16 [1] : vector<512x8xf32> to vector<512xf32>
    %broadcast_in_dim3A_18 = vector.shape_cast %reduce_max3A_17 : vector<512xf32> to vector<512x1xf32>
    %eq3A_19 = vector.broadcast %broadcast_in_dim3A_18 : vector<512x1xf32> to vector<512x8xf32>
    %eq3A_20 = arith.cmpf oeq, %select_n3A_15, %eq3A_19 : vector<512x8xf32>
    %jit3A_21 = arith.constant 8 : i32
    %broadcast_in_dim3A_22 = vector.broadcast %jit3A_21 : i32 to vector<512x8xi32>
    %select_n3A_23 = arith.select %eq3A_20, %iota3A, %broadcast_in_dim3A_22 : vector<512x8xi1>, vector<512x8xi32>
    %reduce_min3A_24 = arith.constant dense<2147483647> : vector<512xi32>
    %reduce_min3A_25 = vector.multi_reduction <minsi>, %select_n3A_23, %reduce_min3A_24 [1] : vector<512x8xi32> to vector<512xi32>
    %squeeze3A = vector.shape_cast %broadcast_in_dim3A_18 : vector<512x1xf32> to vector<512xf32>
    %squeeze3A_26 = vector.shape_cast %broadcast_in_dim3A : vector<512x1xf32> to vector<512xf32>
    %sub3A = arith.subf %squeeze3A, %squeeze3A_26 : vector<512xf32>
    %exp3A = math.exp %sub3A : vector<512xf32>
    %add3A = arith.constant 1.000000e+00 : f32
    %add3A_27 = vector.broadcast %add3A : f32 to vector<512xf32>
    %add3A_28 = arith.addf %add3A_27, %exp3A : vector<512xf32>
    %div3A = arith.constant 1.000000e+00 : f32
    %div3A_29 = vector.broadcast %div3A : f32 to vector<512xf32>
    %div3A_30 = arith.divf %div3A_29, %add3A_28 : vector<512xf32>
    %sub3A_31 = arith.constant 1.000000e+00 : f32
    %sub3A_32 = vector.broadcast %sub3A_31 : f32 to vector<512xf32>
    %sub3A_33 = arith.subf %sub3A_32, %div3A_30 : vector<512xf32>
    %concatenate3A = tpu.concatenate %reduce_min3A_9, %reduce_min3A_25 in 0 : vector<512xi32>, vector<512xi32> -> vector<1024xi32>
    %concatenate3A_34 = tpu.concatenate %div3A_30, %sub3A_33 in 0 : vector<512xf32>, vector<512xf32> -> vector<1024xf32>
    %iota3A_35 = tpu.iota {dimensions = array<i32: 1>} : vector<1024x8xi32>
    %broadcast_in_dim3A_36 = vector.shape_cast %concatenate3A : vector<1024xi32> to vector<1024x1xi32>
    %eq3A_37 = vector.broadcast %broadcast_in_dim3A_36 : vector<1024x1xi32> to vector<1024x8xi32>
    %eq3A_38 = arith.cmpi eq, %eq3A_37, %iota3A_35 : vector<1024x8xi32>
    %convert_element_type3A = arith.extui %eq3A_38 : vector<1024x8xi1> to vector<1024x8xi32>
    %convert_element_type3A_39 = arith.sitofp %convert_element_type3A : vector<1024x8xi32> to vector<1024x8xf32>
    %iota3A_40 = tpu.iota {dimensions = array<i32: 0>} : vector<1024x1024xi32>
    %iota3A_41 = tpu.iota {dimensions = array<i32: 1>} : vector<1024x1024xi32>
    %gt3A = arith.cmpi sgt, %iota3A_40, %iota3A_41 : vector<1024x1024xi32>
    %convert_element_type3A_42 = arith.extui %gt3A : vector<1024x1024xi1> to vector<1024x1024xi32>
    %convert_element_type3A_43 = arith.sitofp %convert_element_type3A_42 : vector<1024x1024xi32> to vector<1024x1024xf32>
    %dot_general3A_44 = arith.constant dense<0.000000e+00> : vector<1024x8xf32>
    %dot_general3A_45 = tpu.matmul %convert_element_type3A_43, %convert_element_type3A_39, %dot_general3A_44 {dimension_numbers = #tpu.dot_dimension_numbers<[1], [0], [0], [1], [0, 0, 1, 1], [], []>, transpose_lhs_hint = false} : vector<1024x1024xf32>, vector<1024x8xf32>, vector<1024x8xf32> -> vector<1024x8xf32>
    %mul3A = arith.mulf %convert_element_type3A_39, %dot_general3A_45 : vector<1024x8xf32>
    %reduce_sum3A = arith.constant dense<0.000000e+00> : vector<1024xf32>
    %reduce_sum3A_46 = vector.multi_reduction <add>, %mul3A, %reduce_sum3A [1] : vector<1024x8xf32> to vector<1024xf32>
    %convert_element_type3A_47 = arith.fptosi %reduce_sum3A_46 : vector<1024xf32> to vector<1024xi32>
    %mul3A_48 = arith.constant 512 : i32
    %mul3A_49 = vector.broadcast %mul3A_48 : i32 to vector<1024xi32>
    %mul3A_50 = arith.muli %concatenate3A, %mul3A_49 : vector<1024xi32>
    %add3A_51 = arith.addi %mul3A_50, %convert_element_type3A_47 : vector<1024xi32>
    %reshape3A = vector.shape_cast %add3A_51 : vector<1024xi32> to vector<8x128xi32>
    %swap3A = arith.constant 0 : index
    %swap3A_52 = arith.constant 0 : index
    %swap3A_53 = vector.load %arg2[%swap3A, %swap3A_52] : memref<8x128xi32, #tpu.memory_space<vmem>>, vector<8x128xi32>
    tpu.vector_store %arg2[%swap3A, %swap3A_52], %reshape3A {strides = array<i32>} : memref<8x128xi32, #tpu.memory_space<vmem>>, vector<8x128xi32>,
    %reshape3A_54 = vector.shape_cast %concatenate3A_34 : vector<1024xf32> to vector<8x128xf32>
    %swap3A_55 = arith.constant 0 : index
    %swap3A_56 = arith.constant 0 : index
    %swap3A_57 = vector.load %arg3[%swap3A_55, %swap3A_56] : memref<8x128xf32, #tpu.memory_space<vmem>>, vector<8x128xf32>
    tpu.vector_store %arg3[%swap3A_55, %swap3A_56], %reshape3A_54 {strides = array<i32>} : memref<8x128xf32, #tpu.memory_space<vmem>>, vector<8x128xf32>,
    %reduce_sum3A_58 = arith.constant dense<0.000000e+00> : vector<8xf32>
    %reduce_sum3A_59 = vector.multi_reduction <add>, %convert_element_type3A_39, %reduce_sum3A_58 [0] : vector<1024x8xf32> to vector<8xf32>
    %broadcast_in_dim3A_60 = vector.shape_cast %reduce_sum3A_59 : vector<8xf32> to vector<1x8xf32>
    %convert_element_type3A_61 = arith.fptosi %broadcast_in_dim3A_60 : vector<1x8xf32> to vector<1x8xi32>
    %swap3A_62 = arith.constant 0 : index
    %swap3A_63 = arith.constant 0 : index
    %swap3A_64 = vector.load %arg4[%swap3A_62, %swap3A_63] : memref<1x8xi32, #tpu.memory_space<vmem>>, vector<1x8xi32>
    tpu.vector_store %arg4[%swap3A_62, %swap3A_63], %convert_element_type3A_61 {strides = array<i32>} : memref<1x8xi32, #tpu.memory_space<vmem>>, vector<1x8xi32>,
    return
  }
}

module attributes {stable_mosaic.version = 14 : i64} {
  func.func @_ffn_body(%arg0: i32, %arg1: i32, %arg2: i32, %arg3: memref<8xi32, #tpu.memory_space<smem>>, %arg4: memref<256x1024xf32, #tpu.memory_space<vmem>>, %arg5: memref<1x1024x512xf32, #tpu.memory_space<vmem>>, %arg6: memref<1x1024x512xf32, #tpu.memory_space<vmem>>, %arg7: memref<1x512x1024xf32, #tpu.memory_space<vmem>>, %arg8: memref<256x1024xf32, #tpu.memory_space<vmem>>) attributes {dimension_semantics = [#tpu.dimension_semantics<arbitrary>, #tpu.dimension_semantics<arbitrary>, #tpu.dimension_semantics<arbitrary>], iteration_bounds = array<i64: 8, 2, 4>, scalar_prefetch = 1 : i64, scratch_operands = 0 : i64, tpu.core_type = #tpu.core_type<tc>, window_params = [{transform_indices = @transform_0, window_bounds = array<i64: 256, 1024>}, {transform_indices = @transform_1, window_bounds = array<i64: 1, 1024, 512>}, {transform_indices = @transform_2, window_bounds = array<i64: 1, 1024, 512>}, {transform_indices = @transform_3, window_bounds = array<i64: 1, 512, 1024>}, {transform_indices = @transform_4, window_bounds = array<i64: 256, 1024>}]} {
    %get3A = arith.index_cast %arg0 : i32 to index
    %get3A_0 = memref.load %arg3[%get3A] : memref<8xi32, #tpu.memory_space<smem>>
    %mul3A = arith.constant 256 : i32
    %mul3A_1 = arith.muli %arg1, %mul3A : i32
    %gt3A = arith.cmpi sgt, %get3A_0, %mul3A_1 : i32
    %convert_element_type3A = arith.extui %gt3A : i1 to i32
    %cond3A = arith.constant 0 : i32
    %cond3A_2 = arith.cmpi ne, %convert_element_type3A, %cond3A : i32
    scf.if %cond3A_2 {
      %get3A_3 = arith.constant 0 : index
      %get3A_4 = arith.constant 0 : index
      %get3A_5 = vector.load %arg4[%get3A_3, %get3A_4] : memref<256x1024xf32, #tpu.memory_space<vmem>>, vector<256x1024xf32>
      %get3A_6 = arith.constant 0 : index
      %get3A_7 = arith.constant 0 : index
      %get3A_8 = arith.constant 0 : index
      %get3A_9 = vector.load %arg5[%get3A_6, %get3A_7, %get3A_8] : memref<1x1024x512xf32, #tpu.memory_space<vmem>>, vector<1x1024x512xf32>
      %get3A_10 = vector.shape_cast %get3A_9 : vector<1x1024x512xf32> to vector<1024x512xf32>
      %get3A_11 = arith.constant 0 : index
      %get3A_12 = arith.constant 0 : index
      %get3A_13 = arith.constant 0 : index
      %get3A_14 = vector.load %arg6[%get3A_11, %get3A_12, %get3A_13] : memref<1x1024x512xf32, #tpu.memory_space<vmem>>, vector<1x1024x512xf32>
      %get3A_15 = vector.shape_cast %get3A_14 : vector<1x1024x512xf32> to vector<1024x512xf32>
      %get3A_16 = arith.constant 0 : index
      %get3A_17 = arith.constant 0 : index
      %get3A_18 = arith.constant 0 : index
      %get3A_19 = vector.load %arg7[%get3A_16, %get3A_17, %get3A_18] : memref<1x512x1024xf32, #tpu.memory_space<vmem>>, vector<1x512x1024xf32>
      %get3A_20 = vector.shape_cast %get3A_19 : vector<1x512x1024xf32> to vector<512x1024xf32>
      %dot_general3A = arith.constant dense<0.000000e+00> : vector<256x512xf32>
      %dot_general3A_21 = tpu.matmul %get3A_5, %get3A_10, %dot_general3A {dimension_numbers = #tpu.dot_dimension_numbers<[1], [0], [0], [1], [0, 0, 1, 1], [], []>, transpose_lhs_hint = false} : vector<256x1024xf32>, vector<1024x512xf32>, vector<256x512xf32> -> vector<256x512xf32>
      %dot_general3A_22 = arith.constant dense<0.000000e+00> : vector<256x512xf32>
      %dot_general3A_23 = tpu.matmul %get3A_5, %get3A_15, %dot_general3A_22 {dimension_numbers = #tpu.dot_dimension_numbers<[1], [0], [0], [1], [0, 0, 1, 1], [], []>, transpose_lhs_hint = false} : vector<256x1024xf32>, vector<1024x512xf32>, vector<256x512xf32> -> vector<256x512xf32>
      %neg3A = arith.constant 0.000000e+00 : f32
      %neg3A_24 = vector.broadcast %neg3A : f32 to vector<256x512xf32>
      %neg3A_25 = arith.subf %neg3A_24, %dot_general3A_21 : vector<256x512xf32>
      %exp3A = math.exp %neg3A_25 : vector<256x512xf32>
      %add3A = arith.constant 1.000000e+00 : f32
      %add3A_26 = vector.broadcast %add3A : f32 to vector<256x512xf32>
      %add3A_27 = arith.addf %add3A_26, %exp3A : vector<256x512xf32>
      %div3A = arith.constant 1.000000e+00 : f32
      %div3A_28 = vector.broadcast %div3A : f32 to vector<256x512xf32>
      %div3A_29 = arith.divf %div3A_28, %add3A_27 : vector<256x512xf32>
      %mul3A_30 = arith.mulf %dot_general3A_21, %div3A_29 : vector<256x512xf32>
      %mul3A_31 = arith.mulf %mul3A_30, %dot_general3A_23 : vector<256x512xf32>
      %dot_general3A_32 = arith.constant dense<0.000000e+00> : vector<256x1024xf32>
      %dot_general3A_33 = tpu.matmul %mul3A_31, %get3A_20, %dot_general3A_32 {dimension_numbers = #tpu.dot_dimension_numbers<[1], [0], [0], [1], [0, 0, 1, 1], [], []>, transpose_lhs_hint = false} : vector<256x512xf32>, vector<512x1024xf32>, vector<256x1024xf32> -> vector<256x1024xf32>
      %eq3A = arith.constant 0 : i32
      %eq3A_34 = arith.cmpi eq, %arg2, %eq3A : i32
      %convert_element_type3A_35 = arith.extui %eq3A_34 : i1 to i32
      %cond3A_36 = arith.constant 0 : i32
      %cond3A_37 = arith.cmpi ne, %convert_element_type3A_35, %cond3A_36 : i32
      scf.if %cond3A_37 {
        %swap3A = arith.constant 0 : index
        %swap3A_42 = arith.constant 0 : index
        %swap3A_43 = vector.load %arg8[%swap3A, %swap3A_42] : memref<256x1024xf32, #tpu.memory_space<vmem>>, vector<256x1024xf32>
        tpu.vector_store %arg8[%swap3A, %swap3A_42], %dot_general3A_33 {strides = array<i32>} : memref<256x1024xf32, #tpu.memory_space<vmem>>, vector<256x1024xf32>,
      } else {
      }
      %ne3A = arith.constant 0 : i32
      %ne3A_38 = arith.cmpi ne, %arg2, %ne3A : i32
      %convert_element_type3A_39 = arith.extui %ne3A_38 : i1 to i32
      %cond3A_40 = arith.constant 0 : i32
      %cond3A_41 = arith.cmpi ne, %convert_element_type3A_39, %cond3A_40 : i32
      scf.if %cond3A_41 {
        %get3A_42 = arith.constant 0 : index
        %get3A_43 = arith.constant 0 : index
        %get3A_44 = vector.load %arg8[%get3A_42, %get3A_43] : memref<256x1024xf32, #tpu.memory_space<vmem>>, vector<256x1024xf32>
        %add3A_45 = arith.addf %get3A_44, %dot_general3A_33 : vector<256x1024xf32>
        %swap3A = arith.constant 0 : index
        %swap3A_46 = arith.constant 0 : index
        %swap3A_47 = vector.load %arg8[%swap3A, %swap3A_46] : memref<256x1024xf32, #tpu.memory_space<vmem>>, vector<256x1024xf32>
        tpu.vector_store %arg8[%swap3A, %swap3A_46], %add3A_45 {strides = array<i32>} : memref<256x1024xf32, #tpu.memory_space<vmem>>, vector<256x1024xf32>,
      } else {
      }
    } else {
    }
    return
  }
  func.func @transform_0(%arg0: i32, %arg1: i32, %arg2: i32, %arg3: memref<8xi32, #tpu.memory_space<smem>>) -> (i32, i32) {
    %mul3A = arith.constant 2 : i32
    %mul3A_0 = arith.muli %arg0, %mul3A : i32
    %add3A = arith.addi %mul3A_0, %arg1 : i32
    %c0_i32 = arith.constant 0 : i32
    %c0_i32_1 = arith.constant 0 : i32
    return %add3A, %c0_i32 : i32, i32
  }
  func.func @transform_1(%arg0: i32, %arg1: i32, %arg2: i32, %arg3: memref<8xi32, #tpu.memory_space<smem>>) -> (i32, i32, i32) {
    %get3A = arith.index_cast %arg0 : i32 to index
    %get3A_0 = memref.load %arg3[%get3A] : memref<8xi32, #tpu.memory_space<smem>>
    %mul3A = arith.constant 256 : i32
    %mul3A_1 = arith.muli %arg1, %mul3A : i32
    %gt3A = arith.cmpi sgt, %get3A_0, %mul3A_1 : i32
    %jit3A = arith.constant 3 : i32
    %select_n3A = arith.select %gt3A, %arg2, %jit3A : i32
    %c0_i32 = arith.constant 0 : i32
    %c0_i32_2 = arith.constant 0 : i32
    return %arg0, %c0_i32, %select_n3A : i32, i32, i32
  }
  func.func @transform_2(%arg0: i32, %arg1: i32, %arg2: i32, %arg3: memref<8xi32, #tpu.memory_space<smem>>) -> (i32, i32, i32) {
    %get3A = arith.index_cast %arg0 : i32 to index
    %get3A_0 = memref.load %arg3[%get3A] : memref<8xi32, #tpu.memory_space<smem>>
    %mul3A = arith.constant 256 : i32
    %mul3A_1 = arith.muli %arg1, %mul3A : i32
    %gt3A = arith.cmpi sgt, %get3A_0, %mul3A_1 : i32
    %jit3A = arith.constant 3 : i32
    %select_n3A = arith.select %gt3A, %arg2, %jit3A : i32
    %c0_i32 = arith.constant 0 : i32
    %c0_i32_2 = arith.constant 0 : i32
    return %arg0, %c0_i32, %select_n3A : i32, i32, i32
  }
  func.func @transform_3(%arg0: i32, %arg1: i32, %arg2: i32, %arg3: memref<8xi32, #tpu.memory_space<smem>>) -> (i32, i32, i32) {
    %get3A = arith.index_cast %arg0 : i32 to index
    %get3A_0 = memref.load %arg3[%get3A] : memref<8xi32, #tpu.memory_space<smem>>
    %mul3A = arith.constant 256 : i32
    %mul3A_1 = arith.muli %arg1, %mul3A : i32
    %gt3A = arith.cmpi sgt, %get3A_0, %mul3A_1 : i32
    %jit3A = arith.constant 3 : i32
    %select_n3A = arith.select %gt3A, %arg2, %jit3A : i32
    %c0_i32 = arith.constant 0 : i32
    %c0_i32_2 = arith.constant 0 : i32
    return %arg0, %select_n3A, %c0_i32 : i32, i32, i32
  }
  func.func @transform_4(%arg0: i32, %arg1: i32, %arg2: i32, %arg3: memref<8xi32, #tpu.memory_space<smem>>) -> (i32, i32) {
    %mul3A = arith.constant 2 : i32
    %mul3A_0 = arith.muli %arg0, %mul3A : i32
    %add3A = arith.addi %mul3A_0, %arg1 : i32
    %c0_i32 = arith.constant 0 : i32
    %c0_i32_1 = arith.constant 0 : i32
    return %add3A, %c0_i32 : i32, i32
  }
}

</mosaic_0001>

<sc_bundles>
// kernel: kernel.6.cloned.1.call-start
scs
__scs_entry_jumppad:
0x0: {  	(pc) =	sbr.rel $0x88, $3  }
0x1: {  	(tag) =	ssettag $0x0;
	lr =	simm.s32 $0x1  }
0x2: {  	[smem:$0x3F9C] =	sst lr;
	_ =	strace $0xD0000000  }
0x3: {  	_ = 	snop  }
0x4: {  	_ = 	snop  }
0x5: {  	_ = 	snop  }
0x6: {  	_ = 	snop  }
0x7: {  	_ = 	snop  }
__scs_overlays_trampoline_lowered:
0x8: {  	[smem:$0x3FAB] =	sst s0  }
0x9: {  	[smem:$0x3FAC] =	sst s1  }
0xa: {  	[smem:$0x3FAD] =	sst s2  }
0xb: {  	[smem:$0x3FAE] =	sst s3  }
0xc: {  	[smem:$0x3FAF] =	sst s4  }
0xd: {  	[smem:$0x3FB0] =	sst s5  }
0xe: {  	[smem:$0x3FB1] =	sst s6  }
0xf: {  	[smem:$0x3FB2] =	sst s7  }
0x10: {  	[smem:$0x3FB3] =	sst s8  }
0x11: {  	[smem:$0x3FB4] =	sst s9;
	s0 =	simm.s32 @!p0 $0x0  }
0x12: {  	s1 =	sld [smem:$0x3F9A];
	s0 =	simm.s32 @p0 $0x1  }
0x13: {  	[smem:$0x3FB5] =	sst s0;
	s0 =	simm.s32 @!p1 $0x0  }
0x14: {  	s2 =	sld [smem:$0x3F99];
	s0 =	simm.s32 @p1 $0x1  }
0x15: {  	[smem:$0x3FB6] =	sst s0;
	s0 =	simm.s32 @!p2 $0x0  }
0x16: {  	s3 =	sld [smem:$0x3FDB];
	s0 =	simm.s32 @p2 $0x1  }
0x17: {  	s4 =	simm.s32 $0x1BF5;
	[smem:$0x3FB8] =	sst s0  }
0x18: {  	s0 =	sld [smem:$0x3F9B];
	_ =	swait.ge [sflag:s4], $0x0  }
0x19: {  	s7 =	sld [smem:$0x3F9C]  }
0x1a: {  	s8 =	sadd.s32 $0xFFFFE003, lr  }
0x1b: {  	s9 =	sadd.s32 $0xFFFFFEF7, lr;
	s5 =	simm.s32 $0xFFFFFFFF;
	p2 =	slt.u32 s8, $0xFFFFF086  }
0x1c: {  	p1 =	slt.u32 s9, $0xF7A;
	s5 =	simm.s32 @!p2 $0x0  }
0x1d: {  	s5 =	simm.s32 @p1 $0x1;
	p0 =	seq.s32 s7, s2  }
0x1e: {  	s7 =	smul.u32 @!p0 $0xF7A, s2;
	p2 =	seq.s32 @!p0 s5, $0x0  }
0x1f: {  	s9 =	smul.u32 $0xF7A, s1;
	s8 =	simm.s32 @!p0 $0x1BF5;
	p2 =	por !p2, p0  }
0x20: {  	[sflag:s8] =	ssyncset.s32 @!p0 $0xFFFFF086;
	s6 =	sadd.s32 @!p0 s3, s7;
	s7 =	simm.s32 @!p0 $0x108  }
0x21: {  	s3 =	sadd.s32 s3, s9;
	s6 =	sadd.s32 @!p0 $0x88, s6;
	s7 =	simm.s32 @p2 $0x1082  }
0x22: {  	[simem:s7], [sflag:s8] =	dma.local @!p0 [hbm:s6], $0xF7A  }
0x23: {  	s9 =	sor.u32 $0xD0000000, s2;
	s6 =	simm.s32 $0x108;
	_ =	swait.ge @!p0 [sflag:s8], $0x0  }
0x24: {  	s3 =	sadd.s32 $0x88, s3;
	s6 =	simm.s32 @!p1 $0x1082;
	[sflag:s4] =	ssyncset.s32 $0xFFFFF086  }
0x25: {  	[simem:s6], [sflag:s4] =	dma.local [hbm:s3], $0xF7A  }
0x26: {  	[smem:$0x3F9C] =	sst s1;
	(tag) =	ssettag s2;
	_ =	strace s9  }
0x27: {  	s1 =	sld [smem:$0x3FAC]  }
0x28: {  	s2 =	sld [smem:$0x3FAD]  }
0x29: {  	s4 =	sld [smem:$0x3FAF]  }
0x2a: {  	p0 =	seq.s32 s5, $0x0;
	s5 =	sld [smem:$0x3FB0]  }
0x2b: {  	s6 =	sld [smem:$0x3FB1]  }
0x2c: {  	s7 =	sld [smem:$0x3FB2]  }
0x2d: {  	s3 =	simm.s32 $0x108;
	s8 =	sld [smem:$0x3FB3]  }
0x2e: {  	s3 =	simm.s32 @!p0 $0x1082;
	s9 =	sld [smem:$0x3FB4]  }
0x2f: {  	lr =	sadd.s32 s0, s3;
	s0 =	sld [smem:$0x3FAB]  }
0x30: {  	s3 =	sld [smem:$0x3FAE]  }
0x31: {  	[smem:$0x3FB7] =	sst s10  }
0x32: {  	s10 =	sld [smem:$0x3FB5];
	_ =	sdelay $0x3  }
0x33: {  	p0 =	seq.s32 s10, $0x1;
	s10 =	sld [smem:$0x3FB7];
	_ =	sdelay $0x3  }
0x34: {  	[smem:$0x3FB7] =	sst s10  }
0x35: {  	s10 =	sld [smem:$0x3FB6];
	_ =	sdelay $0x3  }
0x36: {  	p1 =	seq.s32 s10, $0x1;
	s10 =	sld [smem:$0x3FB7];
	_ =	sdelay $0x3  }
0x37: {  	[smem:$0x3FB7] =	sst s10  }
0x38: {  	s10 =	sld [smem:$0x3FB8]  }
0x39: {  	_ = 	snop;
	(pc) =	sbr.ind lr, $3  }
0x3a: {  	_ = 	snop  }
0x3b: {  	_ = 	snop  }
0x3c: {  	p2 =	seq.s32 s10, $0x1;
	s10 =	sld [smem:$0x3FB7]  }
0x3d: {  	_ =	shalt  }
0x3e: {  	_ =	shalt  }
0x3f: {  	_ =	shalt  }
0x40: {  	_ =	shalt  }
0x41: {  	_ =	shalt  }
0x42: {  	_ =	shalt  }
0x43: {  	_ =	shalt  }
0x44: {  	_ =	shalt  }
0x45: {  	_ =	shalt  }
0x46: {  	_ =	shalt  }
0x47: {  	_ =	shalt  }
0x48: {  	_ =	shalt  }
0x49: {  	_ =	shalt  }
0x4a: {  	_ =	shalt  }
0x4b: {  	_ =	shalt  }
0x4c: {  	_ =	shalt  }
0x4d: {  	_ =	shalt  }
0x4e: {  	_ =	shalt  }
0x4f: {  	_ =	shalt  }
0x50: {  	_ =	shalt  }
0x51: {  	_ =	shalt  }
0x52: {  	_ =	shalt  }
0x53: {  	_ =	shalt  }
0x54: {  	_ =	shalt  }
0x55: {  	_ =	shalt  }
0x56: {  	_ =	shalt  }
0x57: {  	_ =	shalt  }
0x58: {  	_ =	shalt  }
0x59: {  	_ =	shalt  }
0x5a: {  	_ =	shalt  }
0x5b: {  	_ =	shalt  }
0x5c: {  	_ =	shalt  }
0x5d: {  	_ =	shalt  }
0x5e: {  	_ =	shalt  }
0x5f: {  	_ =	shalt  }
0x60: {  	_ =	shalt  }
0x61: {  	_ =	shalt  }
0x62: {  	_ =	shalt  }
0x63: {  	_ =	shalt  }
0x64: {  	_ =	shalt  }
0x65: {  	_ =	shalt  }
0x66: {  	_ =	shalt  }
0x67: {  	_ =	shalt  }
0x68: {  	_ =	shalt  }
0x69: {  	_ =	shalt  }
0x6a: {  	_ =	shalt  }
0x6b: {  	_ =	shalt  }
0x6c: {  	_ =	shalt  }
0x6d: {  	_ =	shalt  }
0x6e: {  	_ =	shalt  }
0x6f: {  	_ =	shalt  }
0x70: {  	_ =	shalt  }
0x71: {  	_ =	shalt  }
0x72: {  	_ =	shalt  }
0x73: {  	_ =	shalt  }
0x74: {  	_ =	shalt  }
0x75: {  	_ =	shalt  }
0x76: {  	_ =	shalt  }
0x77: {  	_ =	shalt  }
0x78: {  	_ =	shalt  }
0x79: {  	_ =	shalt  }
0x7a: {  	_ =	shalt  }
0x7b: {  	_ =	shalt  }
0x7c: {  	_ =	shalt  }
0x7d: {  	_ =	shalt  }
0x7e: {  	_ =	shalt  }
0x7f: {  	_ =	shalt  }
0x80: {  	_ =	shalt  }
0x81: {  	_ =	shalt  }
0x82: {  	_ =	shalt  }
0x83: {  	_ =	shalt  }
0x84: {  	_ =	shalt  }
0x85: {  	_ =	shalt  }
0x86: {  	_ =	shalt  }
0x87: {  	_ =	shalt  }
.Lfunc_end0:
.L_simem_size_0:
called_computation_lowered:
.L_overlay_start_0:
0x88: {  	s2 =	sld [smem:$0x3FD9]  }
0x89: {  	s3 =	sld [smem:$0x3FFE];
	_ =	sdelay $0x1  }
0x8a: {  	s1 =	srdreg.scid  }
0x8b: {  	s0 =	sand.u32 $0x1, s1  }
0x8c: {  	s17 =	sshll.u32 s0, $0xA;
	s2 =	sadd.s32 s3, s2  }
0x8d: {  	s2 =	sadd.s32 s2, s17  }
0x8e: {  	[smem:$0x3FC3] =	sst s2  }
0x8f: {  	_ = 	snop  }
0x90: {  	s2 =	sld [smem:$0x3FC9]  }
0x91: {  	s18 =	sld [smem:$0x3FD0];
	(tm) =	ssettm $0x1  }
0x92: {  	s4 =	sld [smem:$0x3FFB];
	_ =	sdelay $0x3  }
0x93: {  	_ =	strace s4  }
0x94: {  	s4 =	sld [smem:$0x3FFC];
	_ =	sdelay $0x3  }
0x95: {  	_ =	strace s4  }
0x96: {  	s4 =	sld [smem:$0x3FFD];
	_ =	sdelay $0x3  }
0x97: {  	_ =	strace s4  }
0x98: {  	_ =	strace $0x8FFFFFFF  }
0x99: {  	s19 =	sld [smem:$0x3FDB];
	_ =	sdelay $0x1  }
0x9a: {  	s5 =	simm.s32 $_scs_section_size  }
0x9b: {  	s6 =	simm.s32 $_size__tile_overlayer_lowered;
	s7 =	simm.s32 $_tile_overlayer_lowered  }
0x9c: {  	s22 =	simm.s32 $0x1BFF;
	s21 =	sshll.u32 s7, $0x1;
	s4 =	sadd.s32 s5, s19  }
0x9d: {  	s8 =	simm.s32 $0x0;
	s20 =	sshll.u32 s6, $0x1;
	s6 =	sadd.s32 s21, s4  }
0x9e: {  	[timem:s8], [sflag:s22] =	dma.local [hbm:s6], s20  }
0x9f: {  	_ =	swait.ge [sflag:s22], s20  }
0xa0: {  	s5 =	ssub.s32 $0x0, s20;
	[sflag:s22] =	ssyncset.done $0x0  }
0xa1: {  	[sflag:s22] =	ssyncadd.s32 s5;
	_ =	sdelay $0x1  }
0xa2: {  	s23 =	simm.s32 $0x1B8B  }
0xa3: {  	_ =	swait.ge [sflag:s23], $0x1  }
0xa4: {  	[sflag:s23] =	ssyncset.done $0x0  }
0xa5: {  	s25 =	simm.s32 $0x1B8E;
	s24 =	sld [smem:$0x3FFE];
	[sflag:s23] =	ssyncadd.s32 $0xFFFFFFFF  }
0xa6: {  	s26 =	simm.s32 $execute0_lowered;
	[smem:$0x3FD2] =	sst s25  }
0xa7: {  	s6 =	sshll.u32 s26, $0x1;
	_ =	strace $0x80000046;
	[dreg:$0x1] =	wrdreg $0xFFFFFFFF  }
0xa8: {  	s28 =	simm.s32 $_size_execute0_lowered;
	s4 =	sadd.s32 s4, s6;
	[dreg:$0x0] =	wrdreg $0x0  }
0xa9: {  	s6 =	sshll.u32 s28, $0x1;
	[dreg:$0x2] =	wrdreg s4  }
0xaa: {  	[dreg:$0x3] =	wrdreg s6  }
0xab: {  	[dreg:$0x4] =	wrdreg $0xC0  }
0xac: {  	_ =	task [dreg:s8], $0x5FFFF  }
0xad: {  	[dreg:$0x1] =	wrdreg $0xFFFFFFFF  }
0xae: {  	[dreg:$0x0] =	wrdreg $0x60  }
0xaf: {  	[dreg:$0x2] =	wrdreg s2  }
0xb0: {  	[dreg:$0x3] =	wrdreg s18  }
0xb1: {  	[dreg:$0x4] =	wrdreg s24  }
0xb2: {  	[dreg:$0x5] =	wrdreg $0x9  }
0xb3: {  	_ =	task.clear_ibuf [dreg:s8], $0x6FFFF;
	_ =	strace $0x90000046  }
0xb4: {  	s29 =	simm.s32 $0x9;
	_ =	strace $0x80000048  }
0xb5: {  	_ =	swait.ge [sflag:s29], $0x1  }
0xb6: {  	[sflag:s29] =	ssyncadd.s32 $0xFFFFFFFF  }
0xb7: {  	_ =	strace $0x90000048  }
0xb8: {  	_ =	sfence  }
0xb9: {  	s30 =	sld [smem:$0x0];
	_ =	sdelay $0x2  }
0xba: {  	s31 =	sshll.u32 s1, $0xD;
	s1 =	sshrl.u32 s1, $0x2  }
0xbb: {  	s3 =	sand.u32 $0x4000, s31;
	s1 =	sadd.s32 s1, s30  }
0xbc: {  	s0 =	sor.u32 s3, s0;
	s1 =	sshll.u32 s1, $0x11  }
0xbd: {  	s0 =	sor.u32 s1, s0  }
0xbe: {  	s0 =	sadd.s32 $0x8F2B, s0  }
0xbf: {  	[sflag:s0] =	ssyncadd.remote.s32 $0x1  }
0xc0: {  	_ =	sfence.sel $0xFFFF  }
0xc1: {  	[dreg:$0x0] =	wrdreg $0xFFFFFFFF;
	(pc) =	sbr.abs _section_cstart, $3  }
0xc2: {  	[dreg:$0x1] =	wrdreg $0xFFFFFFFF  }
0xc3: {  	_ =	task.clear_ibuf [dreg:s8], $0x2FFFF;
	_ =	strace $0x9FFFFFFF  }
0xc4: {  	(tm) =	ssettm $0x7FFFFFFF  }
0xc5: {  	_ =	shalt  }
tec
execute0_lowered:
.L_overlay_start_1:
0x0: {  	(tag) =	ssettag $0x1  }
0x1: {  	s5 =	rddreg [dreg:$0x0]  }
0x2: {  	s4 =	rddreg [dreg:$0x1]  }
0x3: {  	s8 =	rddreg [dreg:$0x2]  }
0x4: {  	s0 =	rddreg [dreg:$0x3]  }
0x5: {  	s2 =	simm.s32 $0x0;
	s3 =	srdreg.scid;
	s1 =	stileid.u32  }
0x6: {  	s11 =	simm.s32 $0x80;
	s12 =	simm.s32 $0x880;
	s13 =	simm.s32 $0x1080  }
0x7: {  	s14 =	simm.s32 $0x1880;
	s15 =	simm.s32 $0x2080;
	s16 =	simm.s32 $0x2880  }
0x8: {  	s17 =	simm.s32 $0x3080;
	s18 =	simm.s32 $0x3880;
	s19 =	simm.s32 $0x4080  }
0x9: {  	s20 =	simm.s32 $0x4880;
	s21 =	simm.s32 $0x5080;
	s22 =	simm.s32 $0x5880  }
0xa: {  	s23 =	simm.s32 $0x6080;
	s24 =	simm.s32 $0x6880;
	s25 =	simm.s32 $0x7080  }
0xb: {  	s26 =	simm.s32 $0x7880;
	s28 =	simm.s32 $0x1;
	[smem:$0x7FF] =	sst s2  }
0xc: {  	s3 =	sand.u32 $0x1, s3;
	s6 =	sshll.u32 s1, $0x1;
	_ =	strace $0x80000047  }
0xd: {  	s7 =	ssub.s32 $0x2, s3;
	s6 =	sor.u32 s3, s6;
	s3 =	sadd.s32 $0xE00, s8  }
0xe: {  	s9 =	sshrl.u32 s7, $0x1;
	s10 =	sshll.u32 s6, $0xC;
	s6 =	sshll.u32 s6, $0x4  }
0xf: {  	v2 =	vlaneseq.u32;
	s9 =	ssub.s32 s7, s9;
	s31 =	sand.u32 $0xF000, s10;
	s4 =	sadd.s32 s4, s6  }
0x10: {  	vm0 =	vmmov $0xffff;
	v1 =	vshrl.u32 v2, $0x3;
	s6 =	sadd.s32 $0xF00, s8;
	s7 =	sadd.s32 $0x1000, s8;
	s8 =	sadd.s32 $0x1100, s8  }
0x11: {  	v0 =	vand.u32 $0x7, v2;
	v2 =	vor.u32 $0x8, v2;
	v1 =	vmul.u32 $0x8, v1;
	s10 =	simm.s32 $0x2;
	s5 =	sadd.s32 s5, s31;
	s9 =	smax.u32 s9, $0x1  }
.LBB2_1:
0x12: {  	[tilespmem:s2], [sflag:$0x2] =	stream.linear.gather [hbm4b:s4+s2], $0x80, $0x38;
	[tilespmem:$0x8080] =	vst v63  }
0x13: {  	_ =	swait.ge [sflag:s10], $0x80  }
0x14: {  	[sflag:s10] =	ssyncset.done $0x0  }
0x15: {  	[sflag:s10] =	ssyncadd.s32 $0xFFFFFF80  }
0x16: {  	[tilespmem:s11], [sflag:$0x2] =	stream.linear.gather [hbm4b:s5+s2], $0x8000, $0x38;
	[tilespmem:$0x8080] =	vst v63  }
0x17: {  	_ =	swait.ge [sflag:s10], $0x8000  }
0x18: {  	[sflag:s10] =	ssyncset.done $0x0  }
0x19: {  	[sflag:s10] =	ssyncadd.s32 $0xFFFF8000  }
0x1a: {  	v3 =	vld [tilespmem:$0x0];
	_ =	sdelay $0x4  }
0x1b: {  	v4 =	vshll.u32 v3, $0x3  }
0x1c: {  	v3 =	vand.u32 $0x7, v3;
	v4 =	vand.u32 $0xFFFFFFC0, v4  }
0x1d: {  	v3 =	vor.u32 v3, v4  }
0x1e: {  	v4 =	vperm.xlane v3, v0;
	_ =	sdelay $0x1  }
0x1f: {  	v4 =	vadd.s32 v1, v4;
	_ =	sdelay $0x4  }
0x20: {  	[hbm4b:s3+s2] =	stream.indirect_vreg.scatter [tilespmem:s11], [sflag:$0x1], $0x80, v4, vm0, $0xb8;
	[tilespmem:$0x8080] =	vst v63  }
0x21: {  	v3 =	vperm.xlane v3, v2  }
0x22: {  	[hbm4b:s6+s2] =	stream.indirect_vreg.scatter [tilespmem:s12], [sflag:$0x1], $0x80, v4, vm0, $0xb8;
	[tilespmem:$0x8080] =	vst v63  }
0x23: {  	v3 =	vadd.s32 v1, v3  }
0x24: {  	[hbm4b:s7+s2] =	stream.indirect_vreg.scatter [tilespmem:s13], [sflag:$0x1], $0x80, v4, vm0, $0xb8;
	[tilespmem:$0x8080] =	vst v63  }
0x25: {  	_ = 	snop  }
0x26: {  	[hbm4b:s8+s2] =	stream.indirect_vreg.scatter [tilespmem:s14], [sflag:$0x1], $0x80, v4, vm0, $0xb8;
	[tilespmem:$0x8080] =	vst v63  }
0x27: {  	_ = 	snop  }
0x28: {  	[hbm4b:s3+s2] =	stream.indirect_vreg.scatter [tilespmem:s15], [sflag:$0x1], $0x80, v3, vm0, $0xb8;
	[tilespmem:$0x8080] =	vst v63  }
0x29: {  	_ = 	snop  }
0x2a: {  	[hbm4b:s6+s2] =	stream.indirect_vreg.scatter [tilespmem:s16], [sflag:$0x1], $0x80, v3, vm0, $0xb8;
	[tilespmem:$0x8080] =	vst v63  }
0x2b: {  	_ = 	snop  }
0x2c: {  	[hbm4b:s7+s2] =	stream.indirect_vreg.scatter [tilespmem:s17], [sflag:$0x1], $0x80, v3, vm0, $0xb8;
	[tilespmem:$0x8080] =	vst v63  }
0x2d: {  	_ = 	snop  }
0x2e: {  	[hbm4b:s8+s2] =	stream.indirect_vreg.scatter [tilespmem:s18], [sflag:$0x1], $0x80, v3, vm0, $0xb8;
	[tilespmem:$0x8080] =	vst v63  }
0x2f: {  	v3 =	vld [tilespmem:$0x10];
	_ =	sdelay $0x4  }
0x30: {  	v63 =	vshll.u32 v3, $0x3  }
0x31: {  	v3 =	vand.u32 $0x7, v3;
	v4 =	vand.u32 $0xFFFFFFC0, v63  }
0x32: {  	v3 =	vor.u32 v3, v4  }
0x33: {  	v4 =	vperm.xlane v3, v0;
	_ =	sdelay $0x1  }
0x34: {  	v4 =	vadd.s32 v1, v4;
	_ =	sdelay $0x4  }
0x35: {  	[hbm4b:s3+s2] =	stream.indirect_vreg.scatter [tilespmem:s19], [sflag:$0x1], $0x80, v4, vm0, $0xb8;
	[tilespmem:$0x8080] =	vst v63  }
0x36: {  	v3 =	vperm.xlane v3, v2  }
0x37: {  	[hbm4b:s6+s2] =	stream.indirect_vreg.scatter [tilespmem:s20], [sflag:$0x1], $0x80, v4, vm0, $0xb8;
	[tilespmem:$0x8080] =	vst v63  }
0x38: {  	v3 =	vadd.s32 v1, v3  }
0x39: {  	[hbm4b:s7+s2] =	stream.indirect_vreg.scatter [tilespmem:s21], [sflag:$0x1], $0x80, v4, vm0, $0xb8;
	[tilespmem:$0x8080] =	vst v63  }
0x3a: {  	_ = 	snop  }
0x3b: {  	[hbm4b:s8+s2] =	stream.indirect_vreg.scatter [tilespmem:s22], [sflag:$0x1], $0x80, v4, vm0, $0xb8;
	[tilespmem:$0x8080] =	vst v63  }
0x3c: {  	_ = 	snop  }
0x3d: {  	[hbm4b:s3+s2] =	stream.indirect_vreg.scatter [tilespmem:s23], [sflag:$0x1], $0x80, v3, vm0, $0xb8;
	[tilespmem:$0x8080] =	vst v63  }
0x3e: {  	_ = 	snop  }
0x3f: {  	[hbm4b:s6+s2] =	stream.indirect_vreg.scatter [tilespmem:s24], [sflag:$0x1], $0x80, v3, vm0, $0xb8;
	[tilespmem:$0x8080] =	vst v63  }
0x40: {  	p0 =	sne.s32 s9, $0x1  }
0x41: {  	[hbm4b:s7+s2] =	stream.indirect_vreg.scatter [tilespmem:s25], [sflag:$0x1], $0x80, v3, vm0, $0xb8;
	[tilespmem:$0x8080] =	vst v63  }
.Ltmp0:
0x42: {  	_ = 	snop;
	(pc) =	sbr.rel @p0 .LBB2_1-.Ltmp0, $4  }
0x43: {  	[hbm4b:s8+s2] =	stream.indirect_vreg.scatter [tilespmem:s26], [sflag:$0x1], $0x80, v3, vm0, $0xb8;
	[tilespmem:$0x8080] =	vst v63  }
0x44: {  	_ =	swait.ge [sflag:s28], $0x8000  }
0x45: {  	[sflag:s28] =	ssyncset.done $0x0  }
0x46: {  	s9 =	sadd.s32 $0xFFFFFFFF, s9;
	[sflag:s28] =	ssyncadd.s32 $0xFFFF8000  }
0x47: {  	_ =	sfence.sel $0x180000  }
0x48: {  	[bflag:$0x0] =	sbarrier.arrive $0xFFFF  }
0x49: {  	p0 =	sne.s32 s1, $0x0;
	_ =	strace $0x90000047  }
0x4a: {  	s0 =	sadd.s32 @!p0 $0x100000, s0;
	[bflag:$0x2] =	sbarrier.arrive $0xFFFF  }
0x4b: {  	[sflag:s0] =	ssyncadd.tile.s32 @!p0 $0x1;
	_ =	shalt  }
.Lfunc_end2:
_tile_overlayer_lowered:
.L_overlay_start_2:
0x4c: {  	(tag) =	ssettag $0x2  }
0x4d: {  	s0 =	rddreg [dreg:$0x0];
	s2 =	stileid.u32  }
0x4e: {  	s1 =	rddreg [dreg:$0x1];
	p0 =	sne.s32 s2, $0x0  }
0x4f: {  	s3 =	rddreg [dreg:$0x2];
	[bflag:$0x3] =	sbarrier.arrive $0xFFFF;
	s2 =	simm.s32 @!p0 $0x1C02  }
0x50: {  	[timem:s3], [sflag:s2] =	dma.local @!p0 [hbm:s0], s1  }
0x51: {  	s0 =	simm.s32 @!p0 $0x2  }
0x52: {  	_ =	swait.ge @!p0 [sflag:s0], s1  }
0x53: {  	s1 =	ssub.s32 @!p0 $0x0, s1;
	[sflag:s0] =	ssyncset.done @!p0 $0x0  }
0x54: {  	[sflag:s0] =	ssyncadd.s32 @!p0 s1  }
0x55: {  	[bflag:$0x3] =	sbarrier.arrive $0xFFFF  }
0x56: {  	_ =	shalt  }

// kernel: kernel.9.cloned.1.call-start
scs
__scs_entry_jumppad:
0x0: {  	(pc) =	sbr.rel $0x88, $3  }
0x1: {  	(tag) =	ssettag $0x0;
	lr =	simm.s32 $0x1  }
0x2: {  	[smem:$0x3F9C] =	sst lr;
	_ =	strace $0xD0000000  }
0x3: {  	_ = 	snop  }
0x4: {  	_ = 	snop  }
0x5: {  	_ = 	snop  }
0x6: {  	_ = 	snop  }
0x7: {  	_ = 	snop  }
__scs_overlays_trampoline_lowered:
0x8: {  	[smem:$0x3FAB] =	sst s0  }
0x9: {  	[smem:$0x3FAC] =	sst s1  }
0xa: {  	[smem:$0x3FAD] =	sst s2  }
0xb: {  	[smem:$0x3FAE] =	sst s3  }
0xc: {  	[smem:$0x3FAF] =	sst s4  }
0xd: {  	[smem:$0x3FB0] =	sst s5  }
0xe: {  	[smem:$0x3FB1] =	sst s6  }
0xf: {  	[smem:$0x3FB2] =	sst s7  }
0x10: {  	[smem:$0x3FB3] =	sst s8  }
0x11: {  	[smem:$0x3FB4] =	sst s9;
	s0 =	simm.s32 @!p0 $0x0  }
0x12: {  	s1 =	sld [smem:$0x3F9A];
	s0 =	simm.s32 @p0 $0x1  }
0x13: {  	[smem:$0x3FB5] =	sst s0;
	s0 =	simm.s32 @!p1 $0x0  }
0x14: {  	s2 =	sld [smem:$0x3F99];
	s0 =	simm.s32 @p1 $0x1  }
0x15: {  	[smem:$0x3FB6] =	sst s0;
	s0 =	simm.s32 @!p2 $0x0  }
0x16: {  	s3 =	sld [smem:$0x3FDB];
	s0 =	simm.s32 @p2 $0x1  }
0x17: {  	s4 =	simm.s32 $0x1BF5;
	[smem:$0x3FB8] =	sst s0  }
0x18: {  	s0 =	sld [smem:$0x3F9B];
	_ =	swait.ge [sflag:s4], $0x0  }
0x19: {  	s7 =	sld [smem:$0x3F9C]  }
0x1a: {  	s8 =	sadd.s32 $0xFFFFE003, lr  }
0x1b: {  	s9 =	sadd.s32 $0xFFFFFEF7, lr;
	s5 =	simm.s32 $0xFFFFFFFF;
	p2 =	slt.u32 s8, $0xFFFFF086  }
0x1c: {  	p1 =	slt.u32 s9, $0xF7A;
	s5 =	simm.s32 @!p2 $0x0  }
0x1d: {  	s5 =	simm.s32 @p1 $0x1;
	p0 =	seq.s32 s7, s2  }
0x1e: {  	s7 =	smul.u32 @!p0 $0xF7A, s2;
	p2 =	seq.s32 @!p0 s5, $0x0  }
0x1f: {  	s9 =	smul.u32 $0xF7A, s1;
	s8 =	simm.s32 @!p0 $0x1BF5;
	p2 =	por !p2, p0  }
0x20: {  	[sflag:s8] =	ssyncset.s32 @!p0 $0xFFFFF086;
	s6 =	sadd.s32 @!p0 s3, s7;
	s7 =	simm.s32 @!p0 $0x108  }
0x21: {  	s3 =	sadd.s32 s3, s9;
	s6 =	sadd.s32 @!p0 $0x88, s6;
	s7 =	simm.s32 @p2 $0x1082  }
0x22: {  	[simem:s7], [sflag:s8] =	dma.local @!p0 [hbm:s6], $0xF7A  }
0x23: {  	s9 =	sor.u32 $0xD0000000, s2;
	s6 =	simm.s32 $0x108;
	_ =	swait.ge @!p0 [sflag:s8], $0x0  }
0x24: {  	s3 =	sadd.s32 $0x88, s3;
	s6 =	simm.s32 @!p1 $0x1082;
	[sflag:s4] =	ssyncset.s32 $0xFFFFF086  }
0x25: {  	[simem:s6], [sflag:s4] =	dma.local [hbm:s3], $0xF7A  }
0x26: {  	[smem:$0x3F9C] =	sst s1;
	(tag) =	ssettag s2;
	_ =	strace s9  }
0x27: {  	s1 =	sld [smem:$0x3FAC]  }
0x28: {  	s2 =	sld [smem:$0x3FAD]  }
0x29: {  	s4 =	sld [smem:$0x3FAF]  }
0x2a: {  	p0 =	seq.s32 s5, $0x0;
	s5 =	sld [smem:$0x3FB0]  }
0x2b: {  	s6 =	sld [smem:$0x3FB1]  }
0x2c: {  	s7 =	sld [smem:$0x3FB2]  }
0x2d: {  	s3 =	simm.s32 $0x108;
	s8 =	sld [smem:$0x3FB3]  }
0x2e: {  	s3 =	simm.s32 @!p0 $0x1082;
	s9 =	sld [smem:$0x3FB4]  }
0x2f: {  	lr =	sadd.s32 s0, s3;
	s0 =	sld [smem:$0x3FAB]  }
0x30: {  	s3 =	sld [smem:$0x3FAE]  }
0x31: {  	[smem:$0x3FB7] =	sst s10  }
0x32: {  	s10 =	sld [smem:$0x3FB5];
	_ =	sdelay $0x3  }
0x33: {  	p0 =	seq.s32 s10, $0x1;
	s10 =	sld [smem:$0x3FB7];
	_ =	sdelay $0x3  }
0x34: {  	[smem:$0x3FB7] =	sst s10  }
0x35: {  	s10 =	sld [smem:$0x3FB6];
	_ =	sdelay $0x3  }
0x36: {  	p1 =	seq.s32 s10, $0x1;
	s10 =	sld [smem:$0x3FB7];
	_ =	sdelay $0x3  }
0x37: {  	[smem:$0x3FB7] =	sst s10  }
0x38: {  	s10 =	sld [smem:$0x3FB8]  }
0x39: {  	_ = 	snop;
	(pc) =	sbr.ind lr, $3  }
0x3a: {  	_ = 	snop  }
0x3b: {  	_ = 	snop  }
0x3c: {  	p2 =	seq.s32 s10, $0x1;
	s10 =	sld [smem:$0x3FB7]  }
0x3d: {  	_ =	shalt  }
0x3e: {  	_ =	shalt  }
0x3f: {  	_ =	shalt  }
0x40: {  	_ =	shalt  }
0x41: {  	_ =	shalt  }
0x42: {  	_ =	shalt  }
0x43: {  	_ =	shalt  }
0x44: {  	_ =	shalt  }
0x45: {  	_ =	shalt  }
0x46: {  	_ =	shalt  }
0x47: {  	_ =	shalt  }
0x48: {  	_ =	shalt  }
0x49: {  	_ =	shalt  }
0x4a: {  	_ =	shalt  }
0x4b: {  	_ =	shalt  }
0x4c: {  	_ =	shalt  }
0x4d: {  	_ =	shalt  }
0x4e: {  	_ =	shalt  }
0x4f: {  	_ =	shalt  }
0x50: {  	_ =	shalt  }
0x51: {  	_ =	shalt  }
0x52: {  	_ =	shalt  }
0x53: {  	_ =	shalt  }
0x54: {  	_ =	shalt  }
0x55: {  	_ =	shalt  }
0x56: {  	_ =	shalt  }
0x57: {  	_ =	shalt  }
0x58: {  	_ =	shalt  }
0x59: {  	_ =	shalt  }
0x5a: {  	_ =	shalt  }
0x5b: {  	_ =	shalt  }
0x5c: {  	_ =	shalt  }
0x5d: {  	_ =	shalt  }
0x5e: {  	_ =	shalt  }
0x5f: {  	_ =	shalt  }
0x60: {  	_ =	shalt  }
0x61: {  	_ =	shalt  }
0x62: {  	_ =	shalt  }
0x63: {  	_ =	shalt  }
0x64: {  	_ =	shalt  }
0x65: {  	_ =	shalt  }
0x66: {  	_ =	shalt  }
0x67: {  	_ =	shalt  }
0x68: {  	_ =	shalt  }
0x69: {  	_ =	shalt  }
0x6a: {  	_ =	shalt  }
0x6b: {  	_ =	shalt  }
0x6c: {  	_ =	shalt  }
0x6d: {  	_ =	shalt  }
0x6e: {  	_ =	shalt  }
0x6f: {  	_ =	shalt  }
0x70: {  	_ =	shalt  }
0x71: {  	_ =	shalt  }
0x72: {  	_ =	shalt  }
0x73: {  	_ =	shalt  }
0x74: {  	_ =	shalt  }
0x75: {  	_ =	shalt  }
0x76: {  	_ =	shalt  }
0x77: {  	_ =	shalt  }
0x78: {  	_ =	shalt  }
0x79: {  	_ =	shalt  }
0x7a: {  	_ =	shalt  }
0x7b: {  	_ =	shalt  }
0x7c: {  	_ =	shalt  }
0x7d: {  	_ =	shalt  }
0x7e: {  	_ =	shalt  }
0x7f: {  	_ =	shalt  }
0x80: {  	_ =	shalt  }
0x81: {  	_ =	shalt  }
0x82: {  	_ =	shalt  }
0x83: {  	_ =	shalt  }
0x84: {  	_ =	shalt  }
0x85: {  	_ =	shalt  }
0x86: {  	_ =	shalt  }
0x87: {  	_ =	shalt  }
.Lfunc_end0:
.L_simem_size_0:
called_computation.1_lowered:
.L_overlay_start_0:
0x88: {  	s2 =	sld [smem:$0x3FD9]  }
0x89: {  	s3 =	sld [smem:$0x3FFE];
	_ =	sdelay $0x1  }
0x8a: {  	s1 =	srdreg.scid  }
0x8b: {  	s0 =	sand.u32 $0x1, s1  }
0x8c: {  	s17 =	sshll.u32 s0, $0xA;
	s2 =	sadd.s32 s3, s2  }
0x8d: {  	s2 =	sadd.s32 s2, s17  }
0x8e: {  	[smem:$0x3FC3] =	sst s2  }
0x8f: {  	_ = 	snop  }
0x90: {  	s2 =	sld [smem:$0x3FD0];
	(tm) =	ssettm $0x1  }
0x91: {  	s18 =	sld [smem:$0x3FFB];
	_ =	sdelay $0x3  }
0x92: {  	_ =	strace s18  }
0x93: {  	s3 =	sld [smem:$0x3FFC];
	_ =	sdelay $0x3  }
0x94: {  	_ =	strace s3  }
0x95: {  	s3 =	sld [smem:$0x3FFD];
	_ =	sdelay $0x3  }
0x96: {  	_ =	strace s3  }
0x97: {  	_ =	strace $0x8FFFFFFF  }
0x98: {  	s19 =	sld [smem:$0x3FDB];
	_ =	sdelay $0x1  }
0x99: {  	s4 =	simm.s32 $_scs_section_size  }
0x9a: {  	s5 =	simm.s32 $_size__tile_overlayer_lowered;
	s6 =	simm.s32 $_tile_overlayer_lowered  }
0x9b: {  	s22 =	simm.s32 $0x1BFF;
	s21 =	sshll.u32 s6, $0x1;
	s3 =	sadd.s32 s4, s19  }
0x9c: {  	s7 =	simm.s32 $0x0;
	s20 =	sshll.u32 s5, $0x1;
	s5 =	sadd.s32 s21, s3  }
0x9d: {  	[timem:s7], [sflag:s22] =	dma.local [hbm:s5], s20  }
0x9e: {  	_ =	swait.ge [sflag:s22], s20  }
0x9f: {  	s4 =	ssub.s32 $0x0, s20;
	[sflag:s22] =	ssyncset.done $0x0  }
0xa0: {  	[sflag:s22] =	ssyncadd.s32 s4;
	_ =	sdelay $0x1  }
0xa1: {  	s23 =	simm.s32 $0x1B8B  }
0xa2: {  	_ =	swait.ge [sflag:s23], $0x1  }
0xa3: {  	[sflag:s23] =	ssyncset.done $0x0  }
0xa4: {  	s25 =	simm.s32 $0x1B8E;
	s24 =	sld [smem:$0x3FFE];
	[sflag:s23] =	ssyncadd.s32 $0xFFFFFFFF  }
0xa5: {  	s26 =	simm.s32 $execute0_lowered;
	[smem:$0x3FD2] =	sst s25  }
0xa6: {  	s5 =	sshll.u32 s26, $0x1;
	_ =	strace $0x80000049;
	[dreg:$0x1] =	wrdreg $0xFFFFFFFF  }
0xa7: {  	s28 =	simm.s32 $_size_execute0_lowered;
	s3 =	sadd.s32 s3, s5;
	[dreg:$0x0] =	wrdreg $0x0  }
0xa8: {  	s5 =	sshll.u32 s28, $0x1;
	[dreg:$0x2] =	wrdreg s3  }
0xa9: {  	[dreg:$0x3] =	wrdreg s5  }
0xaa: {  	[dreg:$0x4] =	wrdreg $0xC0  }
0xab: {  	_ =	task [dreg:s7], $0x5FFFF  }
0xac: {  	[dreg:$0x1] =	wrdreg $0xFFFFFFFF  }
0xad: {  	[dreg:$0x0] =	wrdreg $0x60  }
0xae: {  	[dreg:$0x2] =	wrdreg s24  }
0xaf: {  	[dreg:$0x3] =	wrdreg s2  }
0xb0: {  	[dreg:$0x4] =	wrdreg $0x9  }
0xb1: {  	_ =	task.clear_ibuf [dreg:s7], $0x5FFFF;
	_ =	strace $0x90000049  }
0xb2: {  	s29 =	simm.s32 $0x9;
	_ =	strace $0x8000004B  }
0xb3: {  	_ =	swait.ge [sflag:s29], $0x1  }
0xb4: {  	[sflag:s29] =	ssyncadd.s32 $0xFFFFFFFF  }
0xb5: {  	_ =	strace $0x9000004B  }
0xb6: {  	_ =	sfence  }
0xb7: {  	s30 =	sld [smem:$0x0];
	_ =	sdelay $0x2  }
0xb8: {  	s31 =	sshll.u32 s1, $0xD;
	s1 =	sshrl.u32 s1, $0x2  }
0xb9: {  	s3 =	sand.u32 $0x4000, s31;
	s1 =	sadd.s32 s1, s30  }
0xba: {  	s0 =	sor.u32 s3, s0;
	s1 =	sshll.u32 s1, $0x11  }
0xbb: {  	s0 =	sor.u32 s1, s0  }
0xbc: {  	s0 =	sadd.s32 $0x8F2B, s0  }
0xbd: {  	[sflag:s0] =	ssyncadd.remote.s32 $0x1  }
0xbe: {  	_ =	sfence.sel $0xFFFF  }
0xbf: {  	[dreg:$0x0] =	wrdreg $0xFFFFFFFF;
	(pc) =	sbr.abs _section_cstart, $3  }
0xc0: {  	[dreg:$0x1] =	wrdreg $0xFFFFFFFF  }
0xc1: {  	_ =	task.clear_ibuf [dreg:s7], $0x2FFFF;
	_ =	strace $0x9FFFFFFF  }
0xc2: {  	(tm) =	ssettm $0x7FFFFFFF  }
0xc3: {  	_ =	shalt  }
tec
execute0_lowered:
.L_overlay_start_1:
0x0: {  	(tag) =	ssettag $0x1  }
0x1: {  	s0 =	rddreg [dreg:$0x0]  }
0x2: {  	s1 =	rddreg [dreg:$0x1]  }
0x3: {  	s2 =	simm.s32 $0x0;
	s3 =	srdreg.scid;
	s5 =	stileid.u32  }
0x4: {  	s13 =	simm.s32 $0x3;
	s23 =	simm.s32 $0x4100;
	s24 =	simm.s32 $0x4900  }
0x5: {  	s28 =	simm.s32 $0x6100;
	s29 =	simm.s32 $0x6900;
	s30 =	simm.s32 $0x7100  }
0x6: {  	s31 =	simm.s32 $0x7900;
	s14 =	simm.s32 $0x9100;
	s15 =	simm.s32 $0x0  }
0x7: {  	[smem:$0x7FF] =	sst s2;
	s4 =	sand.u32 $0x1, s3;
	s5 =	sshll.u32 s5, $0x1  }
0x8: {  	s3 =	sadd.s32 $0xE00, s0;
	s7 =	sadd.s32 $0x1000, s0;
	s8 =	sadd.s32 $0x1100, s0  }
0x9: {  	_ =	strace $0x8000004A;
	s11 =	sor.u32 s4, s5;
	s4 =	ssub.s32 $0x2, s4  }
0xa: {  	s5 =	sshll.u32 s11, $0x4;
	s6 =	sshll.u32 s11, $0x8;
	s25 =	sshrl.u32 s4, $0x1  }
0xb: {  	v2 =	vlaneseq.u32;
	s26 =	sshll.u32 s11, $0xB;
	s5 =	sadd.s32 s5, s0;
	s10 =	sadd.s32 s6, s0  }
0xc: {  	v0 =	vand.u32 $0x7, v2;
	v1 =	vshrl.u32 v2, $0x3;
	s12 =	ssub.s32 s4, s25;
	s6 =	sadd.s32 $0xF00, s0;
	s11 =	sadd.s32 s1, s26  }
0xd: {  	v63 =	vor.u32 $0x8, v2;
	[tilespmem:$0x1FFD0] =	vst v0;
	v62 =	vmul.u32 $0x8, v1;
	s25 =	simm.s32 $0x5100;
	s26 =	simm.s32 $0x5900;
	s0 =	simm.s32 $0x1  }
0xe: {  	[tilespmem:$0x1FFF0] =	vst v63;
	s1 =	simm.s32 $0x2;
	s4 =	sadd.s32 $0x81000, s5;
	s5 =	sadd.s32 $0x80E00, s5  }
0xf: {  	vm0 =	vmmov $0xffff;
	[tilespmem:$0x1FFE0] =	vst v62;
	s9 =	sadd.s32 $0x81200, s10;
	s10 =	sadd.s32 $0x83200, s10;
	s12 =	smax.u32 s12, $0x1  }
.LBB2_1:
0x10: {  	[tilespmem:s2], [sflag:$0x3] =	stream.linear.gather [hbm4b:s4+s2], $0x80, $0x38;
	[tilespmem:$0xD100] =	vst v63  }
0x11: {  	_ =	swait.ge [sflag:s13], $0x80  }
0x12: {  	[sflag:s13] =	ssyncset.done $0x0  }
0x13: {  	s16 =	simm.s32 $0x80;
	[sflag:s13] =	ssyncadd.s32 $0xFFFFFF80  }
0x14: {  	[tilespmem:s16], [sflag:$0x3] =	stream.linear.gather [hbm4b:s5+s2], $0x80, $0x38;
	[tilespmem:$0xD100] =	vst v63  }
0x15: {  	_ =	swait.ge [sflag:s13], $0x80  }
0x16: {  	[sflag:s13] =	ssyncset.done $0x0  }
0x17: {  	[sflag:s13] =	ssyncadd.s32 $0xFFFFFF80  }
0x18: {  	v3 =	vld [tilespmem:$0x0];
	_ =	sdelay $0x2  }
0x19: {  	v0 =	vld [tilespmem:$0x1FFD0];
	_ =	sdelay $0x1  }
0x1a: {  	v1 =	vld [tilespmem:$0x1FFE0];
	v4 =	vshll.u32 v3, $0x3  }
0x1b: {  	v3 =	vand.u32 $0x7, v3;
	v4 =	vand.u32 $0xFFFFFFC0, v4  }
0x1c: {  	v3 =	vor.u32 v3, v4  }
0x1d: {  	v4 =	vperm.xlane v3, v0;
	_ =	sdelay $0x1  }
0x1e: {  	v4 =	vadd.s32 v1, v4  }
0x1f: {  	v2 =	vld [tilespmem:$0x1FFF0];
	_ =	sdelay $0x2  }
0x20: {  	s21 =	simm.s32 $0x100  }
0x21: {  	[tilespmem:s21], [sflag:$0x1] =	stream.indirect_vreg.gather [hbm4b:s3+s2], $0x80, v4, vm0, $0xb8;
	[tilespmem:$0xD100] =	vst v63  }
0x22: {  	s22 =	simm.s32 $0x900;
	v3 =	vperm.xlane v3, v2  }
0x23: {  	[tilespmem:s22], [sflag:$0x1] =	stream.indirect_vreg.gather [hbm4b:s6+s2], $0x80, v4, vm0, $0xb8;
	[tilespmem:$0xD100] =	vst v63  }
0x24: {  	s17 =	simm.s32 $0x1100;
	v3 =	vadd.s32 v1, v3  }
0x25: {  	[tilespmem:s17], [sflag:$0x1] =	stream.indirect_vreg.gather [hbm4b:s7+s2], $0x80, v4, vm0, $0xb8;
	[tilespmem:$0xD100] =	vst v63  }
0x26: {  	s18 =	simm.s32 $0x1900  }
0x27: {  	[tilespmem:s18], [sflag:$0x1] =	stream.indirect_vreg.gather [hbm4b:s8+s2], $0x80, v4, vm0, $0xb8;
	[tilespmem:$0xD100] =	vst v63  }
0x28: {  	s19 =	simm.s32 $0x2100  }
0x29: {  	[tilespmem:s19], [sflag:$0x1] =	stream.indirect_vreg.gather [hbm4b:s3+s2], $0x80, v3, vm0, $0xb8;
	[tilespmem:$0xD100] =	vst v63  }
0x2a: {  	s20 =	simm.s32 $0x2900  }
0x2b: {  	[tilespmem:s20], [sflag:$0x1] =	stream.indirect_vreg.gather [hbm4b:s6+s2], $0x80, v3, vm0, $0xb8;
	[tilespmem:$0xD100] =	vst v63  }
0x2c: {  	s21 =	simm.s32 $0x3100  }
0x2d: {  	[tilespmem:s21], [sflag:$0x1] =	stream.indirect_vreg.gather [hbm4b:s7+s2], $0x80, v3, vm0, $0xb8;
	[tilespmem:$0xD100] =	vst v63  }
0x2e: {  	s22 =	simm.s32 $0x3900  }
0x2f: {  	[tilespmem:s22], [sflag:$0x1] =	stream.indirect_vreg.gather [hbm4b:s8+s2], $0x80, v3, vm0, $0xb8;
	[tilespmem:$0xD100] =	vst v63  }
0x30: {  	v3 =	vld [tilespmem:$0x80];
	_ =	sdelay $0x4  }
0x31: {  	v63 =	vshll.u32 v3, $0x3  }
0x32: {  	v3 =	vand.u32 $0x7, v3;
	v4 =	vand.u32 $0xFFFFFFC0, v63  }
0x33: {  	v3 =	vor.u32 v3, v4  }
0x34: {  	v4 =	vperm.xlane v3, v0;
	_ =	sdelay $0x1  }
0x35: {  	v4 =	vadd.s32 v1, v4;
	_ =	sdelay $0x4  }
0x36: {  	[tilespmem:s23], [sflag:$0x2] =	stream.indirect_vreg.gather [hbm4b:s3+s2], $0x80, v4, vm0, $0xb8;
	[tilespmem:$0xD100] =	vst v63  }
0x37: {  	v3 =	vperm.xlane v3, v2  }
0x38: {  	[tilespmem:s24], [sflag:$0x2] =	stream.indirect_vreg.gather [hbm4b:s6+s2], $0x80, v4, vm0, $0xb8;
	[tilespmem:$0xD100] =	vst v63  }
0x39: {  	v3 =	vadd.s32 v1, v3  }
0x3a: {  	[tilespmem:s25], [sflag:$0x2] =	stream.indirect_vreg.gather [hbm4b:s7+s2], $0x80, v4, vm0, $0xb8;
	[tilespmem:$0xD100] =	vst v63  }
0x3b: {  	_ = 	snop  }
0x3c: {  	[tilespmem:s26], [sflag:$0x2] =	stream.indirect_vreg.gather [hbm4b:s8+s2], $0x80, v4, vm0, $0xb8;
	[tilespmem:$0xD100] =	vst v63  }
0x3d: {  	_ = 	snop  }
0x3e: {  	[tilespmem:s28], [sflag:$0x2] =	stream.indirect_vreg.gather [hbm4b:s3+s2], $0x80, v3, vm0, $0xb8;
	[tilespmem:$0xD100] =	vst v63  }
0x3f: {  	_ = 	snop  }
0x40: {  	[tilespmem:s29], [sflag:$0x2] =	stream.indirect_vreg.gather [hbm4b:s6+s2], $0x80, v3, vm0, $0xb8;
	[tilespmem:$0xD100] =	vst v63  }
0x41: {  	_ = 	snop  }
0x42: {  	[tilespmem:s30], [sflag:$0x2] =	stream.indirect_vreg.gather [hbm4b:s7+s2], $0x80, v3, vm0, $0xb8;
	[tilespmem:$0xD100] =	vst v63  }
0x43: {  	_ = 	snop  }
0x44: {  	[tilespmem:s31], [sflag:$0x2] =	stream.indirect_vreg.gather [hbm4b:s8+s2], $0x80, v3, vm0, $0xb8;
	[tilespmem:$0xD100] =	vst v63  }
0x45: {  	s16 =	simm.s32 $0x8100  }
0x46: {  	[tilespmem:s16], [sflag:$0x3] =	stream.linear.gather [hbm4b:s9+s2], $0x800, $0x38;
	[tilespmem:$0xD100] =	vst v63  }
0x47: {  	_ =	swait.ge [sflag:s13], $0x800  }
0x48: {  	[sflag:s13] =	ssyncset.done $0x0  }
0x49: {  	s17 =	simm.s32 $0x8900;
	[sflag:s13] =	ssyncadd.s32 $0xFFFFF800  }
0x4a: {  	[tilespmem:s17], [sflag:$0x3] =	stream.linear.gather [hbm4b:s10+s2], $0x800, $0x38;
	[tilespmem:$0xD100] =	vst v63  }
0x4b: {  	_ =	swait.ge [sflag:s13], $0x800  }
0x4c: {  	[sflag:s13] =	ssyncset.done $0x0  }
0x4d: {  	[sflag:s13] =	ssyncadd.s32 $0xFFFFF800  }
0x4e: {  	_ =	swait.ge [sflag:s0], $0x4000  }
0x4f: {  	[sflag:s0] =	ssyncset.done $0x0  }
0x50: {  	[sflag:s0] =	ssyncadd.s32 $0xFFFFC000  }
0x51: {  	_ =	swait.ge [sflag:s1], $0x4000  }
0x52: {  	s18 =	simm.s32 $0x0;
	[sflag:s1] =	ssyncset.done $0x0  }
0x53: {  	s19 =	simm.s32 $0x0;
	s20 =	simm.s32 $0x0;
	[sflag:s1] =	ssyncadd.s32 $0xFFFFC000  }
.LBB2_2:
0x54: {  	v3 =	vld [tilespmem:s16+$0x0];
	s21 =	sand.u32 $0x2000, s19;
	s22 =	sand.u32 $0x380, s20  }
0x55: {  	v4 =	vld [tilespmem:s17+$0x0];
	s21 =	sor.u32 s22, s21  }
0x56: {  	v6 =	vld [tilespmem:s21+$0x100]  }
0x57: {  	v7 =	vld [tilespmem:s21+$0x4100]  }
0x58: {  	v10 =	vld [tilespmem:s21+$0x110]  }
0x59: {  	v11 =	vld [tilespmem:s21+$0x4110]  }
0x5a: {  	v14 =	vld [tilespmem:s21+$0x120]  }
0x5b: {  	v17 =	vld [tilespmem:s21+$0x4120]  }
0x5c: {  	v20 =	vld [tilespmem:s21+$0x130]  }
0x5d: {  	v21 =	vld [tilespmem:s21+$0x4130]  }
0x5e: {  	v26 =	vld [tilespmem:s21+$0x140]  }
0x5f: {  	v27 =	vld [tilespmem:s21+$0x4140]  }
0x60: {  	v28 =	vld [tilespmem:s21+$0x150]  }
0x61: {  	v29 =	vld [tilespmem:s21+$0x4150]  }
0x62: {  	v30 =	vld [tilespmem:s21+$0x160]  }
0x63: {  	v31 =	vld [tilespmem:s21+$0x4160]  }
0x64: {  	v32 =	vld [tilespmem:s21+$0x170]  }
0x65: {  	v33 =	vld [tilespmem:s21+$0x4170]  }
0x66: {  	v34 =	vld [tilespmem:s21+$0x500]  }
0x67: {  	v35 =	vld [tilespmem:s21+$0x4500]  }
0x68: {  	v36 =	vld [tilespmem:s21+$0x510]  }
0x69: {  	v37 =	vld [tilespmem:s21+$0x4510]  }
0x6a: {  	v38 =	vld [tilespmem:s21+$0x520]  }
0x6b: {  	v39 =	vld [tilespmem:s21+$0x4520]  }
0x6c: {  	v40 =	vld [tilespmem:s21+$0x530]  }
0x6d: {  	v41 =	vld [tilespmem:s21+$0x4530]  }
0x6e: {  	v42 =	vld [tilespmem:s21+$0x540]  }
0x6f: {  	v43 =	vld [tilespmem:s21+$0x4540]  }
0x70: {  	v44 =	vld [tilespmem:s21+$0x550]  }
0x71: {  	v45 =	vld [tilespmem:s21+$0x4550]  }
0x72: {  	v46 =	vld [tilespmem:s21+$0x560]  }
0x73: {  	v47 =	vld [tilespmem:s21+$0x4560]  }
0x74: {  	v48 =	vld [tilespmem:s21+$0x570]  }
0x75: {  	v49 =	vld [tilespmem:s21+$0x4570]  }
0x76: {  	v50 =	vld [tilespmem:s21+$0x900]  }
0x77: {  	v51 =	vld [tilespmem:s21+$0x4900]  }
0x78: {  	v52 =	vld [tilespmem:s21+$0x910]  }
0x79: {  	v53 =	vld [tilespmem:s21+$0x4910]  }
0x7a: {  	v54 =	vld [tilespmem:s21+$0x920]  }
0x7b: {  	v55 =	vld [tilespmem:s21+$0x4920]  }
0x7c: {  	v56 =	vld [tilespmem:s21+$0x930]  }
0x7d: {  	v57 =	vld [tilespmem:s21+$0x4930]  }
0x7e: {  	v58 =	vld [tilespmem:s21+$0x940]  }
0x7f: {  	v59 =	vld [tilespmem:s21+$0x4940]  }
0x80: {  	v60 =	vld [tilespmem:s21+$0x950]  }
0x81: {  	v61 =	vld [tilespmem:s21+$0x4950]  }
0x82: {  	v62 =	vld [tilespmem:s21+$0x960]  }
0x83: {  	v63 =	vld [tilespmem:s21+$0x4960]  }
0x84: {  	v5 =	vld [tilespmem:s21+$0x970]  }
0x85: {  	v2 =	vld [tilespmem:s21+$0x4970]  }
0x86: {  	v24 =	vld [tilespmem:s21+$0xD00]  }
0x87: {  	v25 =	vld [tilespmem:s21+$0x4D00]  }
0x88: {  	v22 =	vld [tilespmem:s21+$0xD10]  }
0x89: {  	v23 =	vld [tilespmem:s21+$0x4D10]  }
0x8a: {  	v18 =	vld [tilespmem:s21+$0xD20]  }
0x8b: {  	v19 =	vld [tilespmem:s21+$0x4D20]  }
0x8c: {  	v15 =	vld [tilespmem:s21+$0xD30]  }
0x8d: {  	v0 =	vld [tilespmem:s21+$0xD60]  }
0x8e: {  	v16 =	vld [tilespmem:s21+$0x4D30]  }
0x8f: {  	v12 =	vld [tilespmem:s21+$0xD40]  }
0x90: {  	v13 =	vld [tilespmem:s21+$0x4D40]  }
0x91: {  	v8 =	vld [tilespmem:s21+$0xD50];
	v1 =	vmul.f32 v6, v3  }
0x92: {  	v9 =	vld [tilespmem:s21+$0x4D50];
	[tilespmem:$0x1FFC0] =	vst v0;
	v0 =	vmul.f32 v7, v4;
	v10 =	vmul.f32 v10, v3  }
0x93: {  	v7 =	vld [tilespmem:s21+$0x4D60];
	v11 =	vmul.f32 v11, v4;
	v14 =	vmul.f32 v14, v3  }
0x94: {  	v6 =	vld [tilespmem:s21+$0xD70];
	v17 =	vmul.f32 v17, v4;
	v20 =	vmul.f32 v20, v3  }
0x95: {  	v21 =	vmul.f32 v21, v4;
	v26 =	vmul.f32 v26, v3;
	v1 =	vadd.f32 v0, v1;
	v0 =	vld [tilespmem:s21+$0x4D70]  }
0x96: {  	v5 =	vmul.f32 v5, v3;
	v2 =	vmul.f32 v2, v4;
	v10 =	vadd.f32 v11, v10;
	v11 =	vld [tilespmem:s21+$0x1100]  }
0x97: {  	v24 =	vmul.f32 v24, v3;
	v25 =	vmul.f32 v25, v4;
	[tilespmem:s21+$0x9100] =	vst v1;
	v1 =	vadd.f32 v17, v14;
	v14 =	vld [tilespmem:s21+$0x5100]  }
0x98: {  	[tilespmem:s21+$0x9110] =	vst v10;
	v10 =	vadd.f32 v21, v20;
	v21 =	vmul.f32 v28, v3;
	v28 =	vmul.f32 v29, v4;
	v17 =	vld [tilespmem:s21+$0x1110]  }
0x99: {  	v27 =	vmul.f32 v27, v4;
	v34 =	vmul.f32 v34, v3;
	v2 =	vadd.f32 v2, v5;
	v20 =	vld [tilespmem:s21+$0x5110]  }
0x9a: {  	v35 =	vmul.f32 v35, v4;
	v25 =	vadd.f32 v25, v24;
	[tilespmem:s21+$0x9130] =	vst v10;
	v10 =	vadd.f32 v28, v21;
	v21 =	vld [tilespmem:s21+$0x1120]  }
0x9b: {  	v29 =	vmul.f32 v33, v4;
	[tilespmem:s21+$0x9120] =	vst v1;
	v1 =	vadd.f32 v27, v26;
	v27 =	vmul.f32 v31, v4;
	v31 =	vld [tilespmem:s21+$0x1130]  }
0x9c: {  	[tilespmem:s21+$0x9970] =	vst v2;
	v26 =	vmul.f32 v30, v3;
	v28 =	vmul.f32 v32, v3;
	v32 =	vld [tilespmem:s21+$0x5130]  }
0x9d: {  	v38 =	vmul.f32 v38, v3;
	[tilespmem:s21+$0x9D00] =	vst v25;
	v30 =	vmul.f32 v15, v3;
	v15 =	vld [tilespmem:s21+$0x1540]  }
0x9e: {  	v39 =	vmul.f32 v39, v4;
	v33 =	vadd.f32 v27, v26;
	v26 =	vld [tilespmem:s21+$0x5120];
	[tilespmem:s21+$0x9150] =	vst v10;
	v10 =	vadd.f32 v29, v28  }
0x9f: {  	[tilespmem:s21+$0x9140] =	vst v1;
	v28 =	vmul.f32 v36, v3;
	v36 =	vmul.f32 v37, v4;
	v37 =	vadd.f32 v35, v34;
	v34 =	vld [tilespmem:s21+$0x5140]  }
0xa0: {  	v40 =	vmul.f32 v40, v3;
	v52 =	vmul.f32 v52, v3;
	v35 =	vld [tilespmem:s21+$0x1150];
	[tilespmem:s21+$0x9160] =	vst v33  }
0xa1: {  	v18 =	vmul.f32 v18, v3;
	v27 =	vld [tilespmem:s21+$0x5520];
	[tilespmem:s21+$0x9170] =	vst v10;
	v10 =	vadd.f32 v36, v28;
	v36 =	vmul.f32 v41, v4  }
0xa2: {  	v33 =	vld [tilespmem:s21+$0x1140];
	[tilespmem:s21+$0x9500] =	vst v37;
	v37 =	vadd.f32 v39, v38;
	v38 =	vmul.f32 v42, v3;
	v39 =	vmul.f32 v43, v4  }
0xa3: {  	v41 =	vmul.f32 v45, v4;
	v28 =	vld [tilespmem:s21+$0x1520];
	[tilespmem:s21+$0x9510] =	vst v10;
	v10 =	vadd.f32 v36, v40;
	v40 =	vmul.f32 v44, v3  }
0xa4: {  	v43 =	vmul.f32 v46, v3;
	[tilespmem:s21+$0x9520] =	vst v37;
	v42 =	vadd.f32 v39, v38;
	v44 =	vmul.f32 v47, v4;
	v36 =	vld [tilespmem:s21+$0x5150]  }
0xa5: {  	v46 =	vmul.f32 v48, v3;
	v47 =	vmul.f32 v49, v4;
	v37 =	vld [tilespmem:s21+$0x1160];
	[tilespmem:s21+$0x9530] =	vst v10;
	v45 =	vadd.f32 v41, v40  }
0xa6: {  	v49 =	vmul.f32 v50, v3;
	v50 =	vmul.f32 v51, v4;
	v38 =	vld [tilespmem:s21+$0x5160];
	[tilespmem:s21+$0x9540] =	vst v42;
	v48 =	vadd.f32 v44, v43  }
0xa7: {  	v19 =	vmul.f32 v19, v4;
	v39 =	vld [tilespmem:s21+$0x1170];
	v51 =	vadd.f32 v47, v46;
	v44 =	vmul.f32 v53, v4;
	[tilespmem:s21+$0x9550] =	vst v45  }
0xa8: {  	v46 =	vmul.f32 v54, v3;
	v47 =	vmul.f32 v55, v4;
	v40 =	vld [tilespmem:s21+$0x5170];
	[tilespmem:s21+$0x9560] =	vst v48;
	v45 =	vadd.f32 v50, v49  }
0xa9: {  	v41 =	vld [tilespmem:s21+$0x1500];
	v53 =	vmul.f32 v59, v4;
	v55 =	vmul.f32 v60, v3;
	[tilespmem:s21+$0x9570] =	vst v51;
	v48 =	vadd.f32 v44, v52  }
0xaa: {  	v42 =	vld [tilespmem:s21+$0x5500];
	v49 =	vmul.f32 v56, v3;
	v50 =	vmul.f32 v57, v4;
	v51 =	vadd.f32 v47, v46;
	[tilespmem:s21+$0x9900] =	vst v45  }
0xab: {  	v43 =	vld [tilespmem:s21+$0x1510];
	v59 =	vmul.f32 v63, v4;
	v52 =	vmul.f32 v58, v3;
	v46 =	vadd.f32 v19, v18;
	[tilespmem:s21+$0x9910] =	vst v48  }
0xac: {  	v63 =	vmul.f32 v23, v4;
	v23 =	vld [tilespmem:s21+$0x5530];
	v56 =	vmul.f32 v61, v4;
	v54 =	vadd.f32 v50, v49;
	[tilespmem:s21+$0x9920] =	vst v51  }
0xad: {  	v58 =	vmul.f32 v62, v3;
	v44 =	vld [tilespmem:s21+$0x5510];
	v57 =	vadd.f32 v53, v52;
	[tilespmem:s21+$0x9D20] =	vst v46  }
0xae: {  	v62 =	vmul.f32 v22, v3;
	v22 =	vld [tilespmem:s21+$0x1530];
	v60 =	vadd.f32 v56, v55;
	[tilespmem:s21+$0x9930] =	vst v54  }
0xaf: {  	v12 =	vmul.f32 v12, v3;
	v13 =	vmul.f32 v13, v4;
	v18 =	vld [tilespmem:s21+$0x1910];
	v61 =	vadd.f32 v59, v58;
	[tilespmem:s21+$0x9940] =	vst v57  }
0xb0: {  	v25 =	vmul.f32 v34, v4;
	v24 =	vmul.f32 v33, v3;
	v19 =	vld [tilespmem:s21+$0x5910];
	v29 =	vadd.f32 v63, v62;
	[tilespmem:s21+$0x9950] =	vst v60  }
0xb1: {  	v45 =	vmul.f32 v16, v4;
	v16 =	vld [tilespmem:s21+$0x5540];
	v48 =	vmul.f32 v8, v3;
	v50 =	vadd.f32 v13, v12;
	[tilespmem:s21+$0x9960] =	vst v61  }
0xb2: {  	v49 =	vmul.f32 v9, v4;
	v9 =	vld [tilespmem:s21+$0x1550];
	v63 =	vmul.f32 v31, v3;
	v31 =	vadd.f32 v25, v24;
	[tilespmem:s21+$0x9D10] =	vst v29  }
0xb3: {  	v0 =	vmul.f32 v0, v4;
	v51 =	vld [tilespmem:$0x1FFC0];
	v53 =	vmul.f32 v6, v3;
	v47 =	vadd.f32 v45, v30;
	[tilespmem:s21+$0x9D40] =	vst v50  }
0xb4: {  	v12 =	vld [tilespmem:s21+$0x5550];
	v55 =	vmul.f32 v11, v3;
	v56 =	vmul.f32 v14, v4;
	v52 =	vadd.f32 v49, v48;
	[tilespmem:s21+$0xA140] =	vst v31  }
0xb5: {  	v6 =	vld [tilespmem:s21+$0x1560];
	v58 =	vmul.f32 v20, v4;
	v20 =	vmul.f32 v32, v4;
	v0 =	vadd.f32 v0, v53;
	[tilespmem:s21+$0x9D30] =	vst v47  }
0xb6: {  	v33 =	vmul.f32 v38, v4;
	v11 =	vld [tilespmem:s21+$0x1570];
	v32 =	vmul.f32 v37, v3;
	v59 =	vadd.f32 v56, v55;
	[tilespmem:s21+$0x9D50] =	vst v52  }
0xb7: {  	v13 =	vld [tilespmem:s21+$0x5570];
	v57 =	vmul.f32 v17, v3;
	v61 =	vmul.f32 v26, v4;
	v26 =	vadd.f32 v20, v63;
	[tilespmem:s21+$0x9D70] =	vst v0  }
0xb8: {  	v7 =	vmul.f32 v7, v4;
	v14 =	vld [tilespmem:s21+$0x1900];
	v60 =	vmul.f32 v21, v3;
	v37 =	vadd.f32 v33, v32;
	[tilespmem:s21+$0xA100] =	vst v59  }
0xb9: {  	v17 =	vld [tilespmem:s21+$0x5900];
	v29 =	vmul.f32 v35, v3;
	v30 =	vmul.f32 v36, v4;
	v62 =	vadd.f32 v58, v57;
	[tilespmem:s21+$0xA130] =	vst v26  }
0xba: {  	v35 =	vmul.f32 v39, v3;
	v36 =	vmul.f32 v40, v4;
	v20 =	vld [tilespmem:s21+$0x1920];
	v21 =	vadd.f32 v61, v60;
	[tilespmem:s21+$0xA160] =	vst v37  }
0xbb: {  	v38 =	vmul.f32 v41, v3;
	v39 =	vmul.f32 v42, v4;
	v40 =	vld [tilespmem:s21+$0x5920];
	v34 =	vadd.f32 v30, v29;
	[tilespmem:s21+$0xA110] =	vst v62  }
0xbc: {  	v42 =	vmul.f32 v43, v3;
	v48 =	vld [tilespmem:s21+$0x5930];
	v43 =	vmul.f32 v44, v4;
	v41 =	vadd.f32 v36, v35;
	[tilespmem:s21+$0xA120] =	vst v21  }
0xbd: {  	v46 =	vmul.f32 v28, v3;
	v56 =	vld [tilespmem:s21+$0x5940];
	v45 =	vadd.f32 v39, v38;
	v47 =	vmul.f32 v27, v4;
	[tilespmem:s21+$0xA150] =	vst v34  }
0xbe: {  	v63 =	vld [tilespmem:s21+$0x5950];
	v50 =	vmul.f32 v22, v3;
	v10 =	vmul.f32 v51, v3;
	v49 =	vadd.f32 v43, v42;
	[tilespmem:s21+$0xA170] =	vst v41  }
0xbf: {  	v31 =	vld [tilespmem:s21+$0x5960];
	v33 =	vmul.f32 v18, v3;
	v51 =	vmul.f32 v23, v4;
	[tilespmem:s21+$0xA500] =	vst v45;
	v53 =	vadd.f32 v47, v46  }
0xc0: {  	v44 =	vld [tilespmem:s21+$0x1930];
	v58 =	vmul.f32 v9, v3;
	v59 =	vmul.f32 v12, v4;
	v54 =	vadd.f32 v7, v10;
	[tilespmem:s21+$0xA510] =	vst v49  }
0xc1: {  	v52 =	vld [tilespmem:s21+$0x1940];
	v23 =	vmul.f32 v11, v3;
	v26 =	vmul.f32 v13, v4;
	v57 =	vadd.f32 v51, v50;
	[tilespmem:s21+$0xA520] =	vst v53  }
0xc2: {  	v60 =	vld [tilespmem:s21+$0x1950];
	v55 =	vmul.f32 v16, v4;
	v34 =	vmul.f32 v19, v4;
	v16 =	vadd.f32 v59, v58;
	[tilespmem:s21+$0x9D60] =	vst v54  }
0xc3: {  	v27 =	vld [tilespmem:s21+$0x1960];
	v29 =	vmul.f32 v14, v3;
	v30 =	vmul.f32 v17, v4;
	v32 =	vadd.f32 v26, v23;
	[tilespmem:s21+$0xA530] =	vst v57  }
0xc4: {  	v35 =	vld [tilespmem:s21+$0x1970];
	v37 =	vmul.f32 v20, v3;
	v38 =	vmul.f32 v40, v4;
	v40 =	vadd.f32 v34, v33;
	[tilespmem:s21+$0xA550] =	vst v16  }
0xc5: {  	v39 =	vld [tilespmem:s21+$0x5970];
	v42 =	vmul.f32 v48, v4;
	v41 =	vmul.f32 v44, v3;
	v36 =	vadd.f32 v30, v29;
	[tilespmem:s21+$0xA570] =	vst v32  }
0xc6: {  	v10 =	vld [tilespmem:s21+$0x5560];
	v54 =	vmul.f32 v15, v3;
	v43 =	vadd.f32 v38, v37;
	[tilespmem:s21+$0xA910] =	vst v40  }
0xc7: {  	v45 =	vmul.f32 v56, v4;
	v44 =	vmul.f32 v52, v3;
	v46 =	vadd.f32 v42, v41;
	[tilespmem:s21+$0xA900] =	vst v36  }
0xc8: {  	v48 =	vmul.f32 v63, v4;
	v47 =	vmul.f32 v60, v3;
	v61 =	vadd.f32 v55, v54;
	[tilespmem:s21+$0xA920] =	vst v43  }
0xc9: {  	v51 =	vmul.f32 v31, v4;
	v50 =	vmul.f32 v27, v3;
	v49 =	vadd.f32 v45, v44;
	[tilespmem:s21+$0xA930] =	vst v46  }
0xca: {  	v53 =	vmul.f32 v35, v3;
	v52 =	vadd.f32 v48, v47;
	v54 =	vmul.f32 v39, v4;
	[tilespmem:s21+$0xA540] =	vst v61  }
0xcb: {  	v6 =	vmul.f32 v6, v3;
	v55 =	vadd.f32 v51, v50;
	v62 =	vmul.f32 v10, v4;
	[tilespmem:s21+$0xA940] =	vst v49  }
0xcc: {  	s22 =	sand.u32 $0x7, s18;
	[tilespmem:s21+$0xA950] =	vst v52;
	v56 =	vadd.f32 v54, v53  }
0xcd: {  	s22 =	sshll.u32 s22, $0x7;
	[tilespmem:s21+$0xA960] =	vst v55;
	v28 =	vadd.f32 v62, v6  }
0xce: {  	s22 =	sadd.s32 s22, s19;
	[tilespmem:s21+$0xA970] =	vst v56  }
0xcf: {  	[tilespmem:s21+$0xA560] =	vst v28;
	s21 =	sor.u32 $0x1C00, s22  }
0xd0: {  	v0 =	vld [tilespmem:s21+$0x100]  }
0xd1: {  	v1 =	vld [tilespmem:s21+$0x4100];
	_ =	sdelay $0x4  }
0xd2: {  	v0 =	vmul.f32 v0, v3;
	v1 =	vmul.f32 v1, v4;
	_ =	sdelay $0x1  }
0xd3: {  	v0 =	vadd.f32 v1, v0;
	_ =	sdelay $0x1  }
0xd4: {  	[tilespmem:s21+$0x9100] =	vst v0;
	s21 =	sor.u32 $0x1C10, s22  }
0xd5: {  	v0 =	vld [tilespmem:s21+$0x100]  }
0xd6: {  	v57 =	vld [tilespmem:s21+$0x4100];
	_ =	sdelay $0x4  }
0xd7: {  	v0 =	vmul.f32 v0, v3;
	v1 =	vmul.f32 v57, v4;
	_ =	sdelay $0x1  }
0xd8: {  	v0 =	vadd.f32 v1, v0;
	_ =	sdelay $0x1  }
0xd9: {  	[tilespmem:s21+$0x9100] =	vst v0;
	s21 =	sor.u32 $0x1C20, s22  }
0xda: {  	v0 =	vld [tilespmem:s21+$0x100]  }
0xdb: {  	v58 =	vld [tilespmem:s21+$0x4100];
	_ =	sdelay $0x4  }
0xdc: {  	v0 =	vmul.f32 v0, v3;
	v1 =	vmul.f32 v58, v4;
	_ =	sdelay $0x1  }
0xdd: {  	v0 =	vadd.f32 v1, v0;
	_ =	sdelay $0x1  }
0xde: {  	[tilespmem:s21+$0x9100] =	vst v0;
	s21 =	sor.u32 $0x1C30, s22  }
0xdf: {  	v0 =	vld [tilespmem:s21+$0x100]  }
0xe0: {  	v59 =	vld [tilespmem:s21+$0x4100];
	_ =	sdelay $0x4  }
0xe1: {  	v0 =	vmul.f32 v0, v3;
	v1 =	vmul.f32 v59, v4;
	_ =	sdelay $0x1  }
0xe2: {  	v0 =	vadd.f32 v1, v0;
	_ =	sdelay $0x1  }
0xe3: {  	[tilespmem:s21+$0x9100] =	vst v0;
	s21 =	sor.u32 $0x1C40, s22  }
0xe4: {  	v0 =	vld [tilespmem:s21+$0x100]  }
0xe5: {  	v60 =	vld [tilespmem:s21+$0x4100];
	_ =	sdelay $0x4  }
0xe6: {  	v0 =	vmul.f32 v0, v3;
	v1 =	vmul.f32 v60, v4;
	_ =	sdelay $0x1  }
0xe7: {  	v0 =	vadd.f32 v1, v0;
	_ =	sdelay $0x1  }
0xe8: {  	[tilespmem:s21+$0x9100] =	vst v0;
	s21 =	sor.u32 $0x1C50, s22  }
0xe9: {  	v0 =	vld [tilespmem:s21+$0x100]  }
0xea: {  	v61 =	vld [tilespmem:s21+$0x4100];
	_ =	sdelay $0x4  }
0xeb: {  	v0 =	vmul.f32 v0, v3;
	v1 =	vmul.f32 v61, v4;
	_ =	sdelay $0x1  }
0xec: {  	v0 =	vadd.f32 v1, v0;
	_ =	sdelay $0x1  }
0xed: {  	[tilespmem:s21+$0x9100] =	vst v0;
	s21 =	sor.u32 $0x1C60, s22  }
0xee: {  	v0 =	vld [tilespmem:s21+$0x100]  }
0xef: {  	v62 =	vld [tilespmem:s21+$0x4100];
	_ =	sdelay $0x4  }
0xf0: {  	v0 =	vmul.f32 v0, v3;
	v1 =	vmul.f32 v62, v4;
	_ =	sdelay $0x1  }
0xf1: {  	v0 =	vadd.f32 v1, v0;
	_ =	sdelay $0x1  }
0xf2: {  	s22 =	sor.u32 $0x1C70, s22;
	[tilespmem:s21+$0x9100] =	vst v0  }
0xf3: {  	v0 =	vld [tilespmem:s22+$0x100]  }
0xf4: {  	v63 =	vld [tilespmem:s22+$0x4100];
	_ =	sdelay $0x3  }
0xf5: {  	p0 =	sne.s32 s20, $0x780  }
.Ltmp0:
0xf6: {  	v0 =	vmul.f32 v0, v3;
	v1 =	vmul.f32 v63, v4;
	(pc) =	sbr.rel @p0 .LBB2_2-.Ltmp0, $4  }
0xf7: {  	_ = 	snop  }
0xf8: {  	v0 =	vadd.f32 v1, v0  }
0xf9: {  	s16 =	sadd.s32 $0x80, s16;
	s17 =	sadd.s32 $0x80, s17  }
0xfa: {  	s20 =	sadd.s32 $0x80, s20;
	s18 =	sadd.s32 $0x1, s18;
	s19 =	sadd.s32 $0x400, s19;
	[tilespmem:s22+$0x9100] =	vst v0  }
0xfb: {  	s15 =	sadd.s32 $0x1, s15  }
0xfc: {  	p0 =	sne.s32 s15, s12  }
.Ltmp1:
0xfd: {  	_ = 	snop;
	(pc) =	sbr.rel @p0 .LBB2_1-.Ltmp1, $4  }
0xfe: {  	[hbm4b:s11+s2] =	stream.linear.scatter [tilespmem:s14], [sflag:$0x3], $0x4000, $0x38;
	[tilespmem:$0xD100] =	vst v63  }
0xff: {  	_ =	swait.ge [sflag:s13], $0x4000  }
0x100: {  	[sflag:s13] =	ssyncset.done $0x0  }
0x101: {  	[sflag:s13] =	ssyncadd.s32 $0xFFFFC000  }
0x102: {  	_ =	sfence.sel $0x180000  }
0x103: {  	[bflag:$0x0] =	sbarrier.arrive $0xFFFF  }
0x104: {  	_ =	strace $0x9000004A  }
0x105: {  	s0 =	stileid.u32;
	[bflag:$0x2] =	sbarrier.arrive $0xFFFF  }
0x106: {  	p0 =	sne.s32 s0, $0x0;
	s0 =	rddreg [dreg:$0x2]  }
0x107: {  	s0 =	sadd.s32 @!p0 $0x100000, s0  }
0x108: {  	[sflag:s0] =	ssyncadd.tile.s32 @!p0 $0x1;
	_ =	shalt  }
.Lfunc_end2:
_tile_overlayer_lowered:
.L_overlay_start_2:
0x109: {  	(tag) =	ssettag $0x2  }
0x10a: {  	s0 =	rddreg [dreg:$0x0];
	s2 =	stileid.u32  }
0x10b: {  	s1 =	rddreg [dreg:$0x1];
	p0 =	sne.s32 s2, $0x0  }
0x10c: {  	s3 =	rddreg [dreg:$0x2];
	[bflag:$0x3] =	sbarrier.arrive $0xFFFF;
	s2 =	simm.s32 @!p0 $0x1C03  }
0x10d: {  	[timem:s3], [sflag:s2] =	dma.local @!p0 [hbm:s0], s1  }
0x10e: {  	s0 =	simm.s32 @!p0 $0x3  }
0x10f: {  	_ =	swait.ge @!p0 [sflag:s0], s1  }
0x110: {  	s1 =	ssub.s32 @!p0 $0x0, s1;
	[sflag:s0] =	ssyncset.done @!p0 $0x0  }
0x111: {  	[sflag:s0] =	ssyncadd.s32 @!p0 s1  }
0x112: {  	[bflag:$0x3] =	sbarrier.arrive $0xFFFF  }
0x113: {  	_ =	shalt  }

</sc_bundles>
